<compile_context>
chip_gen: v7x
topology: tpu7x:2x2x1
jax: 0.10.2.dev20260603
libtpu: 0.0.44.dev20260713+nightly
codegen_flags: <defaults>
</compile_context>

<pallas_src>
import functools

import jax
import jax.numpy as jnp
import numpy as np
from jax import lax
from jax.experimental import pallas as pl
from jax.experimental.pallas import tpu as pltpu
from jax.experimental.pallas import tpu_sc as plsc

B, N, M = 32, 512, 32
L = 16
LT = L * 4
NLANE = 16
GROUPS = N // NLANE

_C0 = np.float32(0.9999855460225976)
_C1 = np.float32(-0.24991878892384348)
_C2 = np.float32(0.02076114541288175)
_C3 = np.float32(-0.0006720519689284828)
_C4 = np.float32(9.532515384707557e-06)
_PI = np.float32(np.pi)
_LOG2E = np.float32(1.4426950408889634)
_RBIG = np.float32(1e18)


def _sc_body(x_hbm, nb_hbm, z_hbm, rp_hbm, out_hbm,
             xv, nbv, zv, rpv, accv, rbuf, ibuf, pbuf, sem):
    c = lax.axis_index("c")
    s = lax.axis_index("s")
    wid = s * 2 + c

    cp1 = pltpu.make_async_copy(x_hbm.at[wid], xv, sem)
    cp2 = pltpu.make_async_copy(nb_hbm.at[wid], nbv, sem)
    cp3 = pltpu.make_async_copy(z_hbm.at[wid], zv, sem)
    cp4 = pltpu.make_async_copy(rp_hbm, rpv, sem)
    cp1.start()
    cp2.start()
    cp3.start()
    cp4.start()

    zero = jnp.zeros((NLANE,), jnp.float32)

    @plsc.parallel_loop(0, N * LT // NLANE, unroll=8)
    def zbody(i):
        accv[pl.ds(i * NLANE, NLANE)] = zero

    cp1.wait()
    cp2.wait()
    cp3.wait()
    cp4.wait()

    lane = jnp.arange(NLANE, dtype=jnp.int32)

    rc_all = plsc.load_gather(rpv, [lane * 3])
    rs_all = plsc.load_gather(rpv, [lane * 3 + 1])
    e_all = plsc.load_gather(rpv, [lane * 3 + 2])
    pbuf[pl.ds(0, NLANE)] = rc_all
    pbuf[pl.ds(NLANE, NLANE)] = rs_all
    pbuf[pl.ds(2 * NLANE, NLANE)] = -e_all
    pbuf[pl.ds(3 * NLANE, NLANE)] = _PI / rc_all

    def gbody(g, carry1):
        atom = g * NLANE + lane
        a3 = atom * 3
        cx = plsc.load_gather(xv, [a3])
        cy = plsc.load_gather(xv, [a3 + 1])
        cz = plsc.load_gather(xv, [a3 + 2])
        base_off = atom * M
        acc_base = atom * LT
        gm = g * M

        @plsc.parallel_loop(0, M, unroll=4)
        def m1(m):
            off = base_off + m
            nb = plsc.load_gather(nbv, [off])
            zz = plsc.load_gather(zv, [off])
            nb3 = nb * 3
            dx = plsc.load_gather(xv, [nb3]) - cx
            dy = plsc.load_gather(xv, [nb3 + 1]) - cy
            dz = plsc.load_gather(xv, [nb3 + 2]) - cz
            r2 = dx * dx + dy * dy + dz * dz
            ii = lax.bitcast_convert_type(r2, jnp.int32)
            ii = jnp.int32(0x5F3759DF) - jnp.right_shift(ii, 1)
            y = lax.bitcast_convert_type(ii, jnp.float32)
            hr2 = np.float32(0.5) * r2
            y = y * (np.float32(1.5) - hr2 * y * y)
            y = y * (np.float32(1.5) - hr2 * y * y)
            y = y * (np.float32(1.5) - hr2 * y * y)
            r = r2 * y
            valid = (zz >= 1) & (zz <= 4)
            sl = pl.ds((gm + m) * NLANE, NLANE)
            rbuf[sl] = jnp.where(valid, r, _RBIG)
            ibuf[sl] = jnp.maximum(acc_base + (zz - 1), 0)

        return carry1

    lax.fori_loop(0, GROUPS, gbody, 0)

    def lbody(l, carry2):
        rc = plsc.load_gather(pbuf, [jnp.full((NLANE,), l, jnp.int32)])
        rs = plsc.load_gather(pbuf, [jnp.full((NLANE,), l + NLANE, jnp.int32)])
        ne = plsc.load_gather(pbuf, [jnp.full((NLANE,), l + 2 * NLANE, jnp.int32)])
        pinv = plsc.load_gather(pbuf, [jnp.full((NLANE,), l + 3 * NLANE, jnp.int32)])
        lt4 = l * 4

        @plsc.parallel_loop(0, N * M // NLANE, unroll=4)
        def m2(i):
            sl = pl.ds(i * NLANE, NLANE)
            r = rbuf[sl]
            ib = ibuf[sl]
            dd = r - rs
            kk = jnp.exp(ne * dd * dd)
            u = r * pinv
            t = u * u
            fc = _C0 + t * (_C1 + t * (_C2 + t * (_C3 + t * _C4)))
            fc = jnp.where(r <= rc, fc, np.float32(0.0))
            val = kk * fc
            plsc.addupdate_scatter(accv, [ib + lt4], val)

        return carry2

    lax.fori_loop(0, L, lbody, 0)

    pltpu.sync_copy(accv, out_hbm.at[wid])


_sc_main = functools.partial(
    pl.kernel,
    out_type=jax.ShapeDtypeStruct((B, N * LT), jnp.float32),
    mesh=plsc.VectorSubcoreMesh(core_axis_name="c", subcore_axis_name="s"),
    compiler_params=pltpu.CompilerParams(needs_layout_passes=False),
    scratch_types=[
        pltpu.VMEM((N * 3,), jnp.float32),
        pltpu.VMEM((N * M,), jnp.int32),
        pltpu.VMEM((N * M,), jnp.int32),
        pltpu.VMEM((L * 3,), jnp.float32),
        pltpu.VMEM((N * LT,), jnp.float32),
        pltpu.VMEM((N * M,), jnp.float32),
        pltpu.VMEM((N * M,), jnp.int32),
        pltpu.VMEM((4 * NLANE,), jnp.float32),
        pltpu.SemaphoreType.DMA,
    ],
)(_sc_body)


def _bn_body(x_ref, o_ref):
    x = x_ref[...]
    m = jnp.mean(x, axis=0, keepdims=True)
    d = x - m
    v = jnp.mean(d * d, axis=0, keepdims=True)
    o_ref[...] = d * lax.rsqrt(v + np.float32(0.001))


_BN_CHUNK = 2048


def _bn(layer):
    return pl.pallas_call(
        _bn_body,
        grid=(N * LT // _BN_CHUNK,),
        in_specs=[pl.BlockSpec((B, _BN_CHUNK), lambda i: (0, i))],
        out_specs=pl.BlockSpec((B, _BN_CHUNK), lambda i: (0, i)),
        out_shape=jax.ShapeDtypeStruct((B, N * LT), jnp.float32),
    )(layer)


def kernel(X, Nbrs, Nbrs_Z, radial_params):
    xf = X.reshape(B, N * 3)
    nb = Nbrs.reshape(B, N * M).astype(jnp.int32)
    zf = Nbrs_Z.reshape(B, N * M).astype(jnp.int32)
    rp = radial_params.reshape(L * 3)
    layer = _sc_main(xf, nb, zf, rp)
    out = _bn(layer)
    return out.reshape(B, N, LT)

# --- scband reference (transcript-rebuilt; emitter-appended) ---
"""Pipeline reference for scband-atomic-convolution-7868380087057 (READ-ONLY COPY).

The authoritative reference and input builder live on the scoring server;
editing this copy changes nothing except your own understanding.
"""

import jax, jax.numpy as jnp
import numpy as np

B, N, M, D = 32, 512, 32, 3
L = 16
A = 4
ATOM_TYPES = [1, 2, 3, 4]


def setup_inputs(seed: int = 0):
    key = jax.random.key(seed)
    k1, k2, k3 = jax.random.split(key, 3)
    X = jax.random.normal(k1, (B, N, D), dtype=jnp.float32)
    # neighbor indices guaranteed != self to avoid zero distances
    base = jax.random.randint(k2, (B, N, M), 1, N)
    Nbrs = (jnp.arange(N, dtype=jnp.int32)[None, :, None] + base) % N
    Nbrs_Z = jax.random.randint(k3, (B, N, M), 0, 5).astype(jnp.int32)
    rs = jnp.arange(L, dtype=jnp.float32) * 0.8
    radial_params = jnp.stack([jnp.full((L,), 12.0, jnp.float32), rs, jnp.full((L,), 4.0, jnp.float32)], axis=1)
    return {"X": X, "Nbrs": Nbrs, "Nbrs_Z": Nbrs_Z, "radial_params": radial_params}


def reference(X, Nbrs, Nbrs_Z, radial_params):
    Bb, Nn, d = X.shape
    Mm = Nbrs.shape[-1]
    # distance_tensor: gather neighbor coordinates per example
    flat = Nbrs.reshape(Bb, Nn * Mm)
    nbr_coords = jax.vmap(lambda x, nb: x[nb])(X, flat).reshape(Bb, Nn, Mm, d)
    Dt = nbr_coords - X[:, :, None, :]
    # boxsize is None -> no periodic wrap
    R = jnp.sqrt(jnp.sum(Dt * Dt, axis=3))  # (B, N, M)
    # radial symmetry functions, vectorized over the L params
    rc = radial_params[:, 0][:, None, None, None]
    rs = radial_params[:, 1][:, None, None, None]
    e = radial_params[:, 2][:, None, None, None]
    K = jnp.exp(-e * (R[None] - rs) ** 2)
    T = 0.5 * (jnp.cos(np.pi * R[None] / rc) + 1.0)
    FC = jnp.where(R[None] <= rc, T, jnp.zeros_like(T))
    rsf = K * FC  # (L, B, N, M)
    # atom-type masked neighbor reduction (original loops param-major then type)
    sym = []
    for t in range(A):
        cond = (Nbrs_Z == ATOM_TYPES[t])  # (B, N, M)
        masked = jnp.where(cond[None], rsf, jnp.zeros_like(rsf))
        sym.append(jnp.sum(masked, axis=3))  # (L, B, N)
    layer = jnp.stack(sym, axis=1).reshape(L * A, Bb, Nn)  # index = param*A + type
    layer = jnp.transpose(layer, (1, 2, 0))  # (B, N, L*A)
    m = jnp.mean(layer, axis=0)
    v = jnp.var(layer, axis=0)
    out = (layer - m) / jnp.sqrt(v + 0.001)
    return out

if __name__ == "__main__":
    import jax
    _d = setup_inputs()
    print(jax.jit(kernel)(*tuple(_d.values())))

</pallas_src>

<mosaic_0001>
#map = affine_map<(d0, d1) -> (0, 0)>
#map1 = affine_map<(d0, d1) -> (0)>
module attributes {stable_mosaic.version = 14 : i64} {
  func.func @_sc_body(%arg0: i32, %arg1: i32, %arg2: memref<32x1536xf32, #tpu.memory_space<hbm>>, %arg3: memref<32x16384xi32, #tpu.memory_space<hbm>>, %arg4: memref<32x16384xi32, #tpu.memory_space<hbm>>, %arg5: memref<48xf32, #tpu.memory_space<hbm>>, %arg6: memref<32x32768xf32, #tpu.memory_space<hbm>>, %arg7: memref<1536xf32, #tpu.memory_space<vmem>>, %arg8: memref<16384xi32, #tpu.memory_space<vmem>>, %arg9: memref<16384xi32, #tpu.memory_space<vmem>>, %arg10: memref<48xf32, #tpu.memory_space<vmem>>, %arg11: memref<32768xf32, #tpu.memory_space<vmem>>, %arg12: memref<16384xf32, #tpu.memory_space<vmem>>, %arg13: memref<16384xi32, #tpu.memory_space<vmem>>, %arg14: memref<64xf32, #tpu.memory_space<vmem>>, %arg15: memref<!tpu.dma_semaphore, #tpu.memory_space<semaphore_mem>>) attributes {dimension_semantics = [#tpu.dimension_semantics<core_parallel>, #tpu.dimension_semantics<subcore_parallel>], iteration_bounds = array<i64: 2, 16>, scalar_prefetch = 0 : i64, scratch_operands = 9 : i64, tpu.core_type = #tpu.core_type<sc_vector_subcore>, window_params = [{transform_indices = #map}, {transform_indices = #map}, {transform_indices = #map}, {transform_indices = #map1}, {transform_indices = #map}]} {
    %mul3A = arith.constant 2 : i32
    %mul3A_0 = arith.muli %arg1, %mul3A : i32
    %add3A = arith.addi %mul3A_0, %arg0 : i32
    %dma_start3A = arith.constant 0 : i32
    %dma_start3A_1 = tpu.memref_slice %arg2[%add3A, %dma_start3A] : memref<32x1536xf32, #tpu.memory_space<hbm>> -> memref<1x1536xf32, #tpu.memory_space<hbm>>
    %dma_start3A_2 = tpu.memref_squeeze %dma_start3A_1 : memref<1x1536xf32, #tpu.memory_space<hbm>> -> memref<1536xf32, #tpu.memory_space<hbm>>
    %dma_start3A_3 = arith.constant 0 : i32
    %dma_start3A_4 = tpu.memref_slice %arg2[%add3A, %dma_start3A_3] : memref<32x1536xf32, #tpu.memory_space<hbm>> -> memref<1x1536xf32, #tpu.memory_space<hbm>>
    %dma_start3A_5 = tpu.memref_squeeze %dma_start3A_4 : memref<1x1536xf32, #tpu.memory_space<hbm>> -> memref<1536xf32, #tpu.memory_space<hbm>>
    tpu.enqueue_dma source(%dma_start3A_5 : memref<1536xf32, #tpu.memory_space<hbm>>) target(%arg7 : memref<1536xf32, #tpu.memory_space<vmem>>) target_semaphore(%arg15 : memref<!tpu.dma_semaphore, #tpu.memory_space<semaphore_mem>>)
    %dma_start3A_6 = arith.constant 0 : i32
    %dma_start3A_7 = tpu.memref_slice %arg3[%add3A, %dma_start3A_6] : memref<32x16384xi32, #tpu.memory_space<hbm>> -> memref<1x16384xi32, #tpu.memory_space<hbm>>
    %dma_start3A_8 = tpu.memref_squeeze %dma_start3A_7 : memref<1x16384xi32, #tpu.memory_space<hbm>> -> memref<16384xi32, #tpu.memory_space<hbm>>
    %dma_start3A_9 = arith.constant 0 : i32
    %dma_start3A_10 = tpu.memref_slice %arg3[%add3A, %dma_start3A_9] : memref<32x16384xi32, #tpu.memory_space<hbm>> -> memref<1x16384xi32, #tpu.memory_space<hbm>>
    %dma_start3A_11 = tpu.memref_squeeze %dma_start3A_10 : memref<1x16384xi32, #tpu.memory_space<hbm>> -> memref<16384xi32, #tpu.memory_space<hbm>>
    tpu.enqueue_dma source(%dma_start3A_11 : memref<16384xi32, #tpu.memory_space<hbm>>) target(%arg8 : memref<16384xi32, #tpu.memory_space<vmem>>) target_semaphore(%arg15 : memref<!tpu.dma_semaphore, #tpu.memory_space<semaphore_mem>>)
    %dma_start3A_12 = arith.constant 0 : i32
    %dma_start3A_13 = tpu.memref_slice %arg4[%add3A, %dma_start3A_12] : memref<32x16384xi32, #tpu.memory_space<hbm>> -> memref<1x16384xi32, #tpu.memory_space<hbm>>
    %dma_start3A_14 = tpu.memref_squeeze %dma_start3A_13 : memref<1x16384xi32, #tpu.memory_space<hbm>> -> memref<16384xi32, #tpu.memory_space<hbm>>
    %dma_start3A_15 = arith.constant 0 : i32
    %dma_start3A_16 = tpu.memref_slice %arg4[%add3A, %dma_start3A_15] : memref<32x16384xi32, #tpu.memory_space<hbm>> -> memref<1x16384xi32, #tpu.memory_space<hbm>>
    %dma_start3A_17 = tpu.memref_squeeze %dma_start3A_16 : memref<1x16384xi32, #tpu.memory_space<hbm>> -> memref<16384xi32, #tpu.memory_space<hbm>>
    tpu.enqueue_dma source(%dma_start3A_17 : memref<16384xi32, #tpu.memory_space<hbm>>) target(%arg9 : memref<16384xi32, #tpu.memory_space<vmem>>) target_semaphore(%arg15 : memref<!tpu.dma_semaphore, #tpu.memory_space<semaphore_mem>>)
    tpu.enqueue_dma source(%arg5 : memref<48xf32, #tpu.memory_space<hbm>>) target(%arg10 : memref<48xf32, #tpu.memory_space<vmem>>) target_semaphore(%arg15 : memref<!tpu.dma_semaphore, #tpu.memory_space<semaphore_mem>>)
    %broadcast_in_dim3A = arith.constant 0.000000e+00 : f32
    %broadcast_in_dim3A_18 = vector.broadcast %broadcast_in_dim3A : f32 to vector<16xf32>
    %parallel_loop3A = arith.constant 0 : i32
    %parallel_loop3A_19 = arith.constant 2048 : i32
    %parallel_loop3A_20 = arith.constant 1 : i32
    scf.for %parallel_loop3A_77 = %parallel_loop3A to %parallel_loop3A_19 step %parallel_loop3A_20  : i32 {
      %parallel_loop3A_78 = arith.constant 16 : i32
      %parallel_loop3A_79 = arith.muli %parallel_loop3A_77, %parallel_loop3A_78 : i32
      %parallel_loop3A_80 = arith.index_cast %parallel_loop3A_79 : i32 to index
      %parallel_loop3A_81 = tpu.vector_load %arg11[%parallel_loop3A_80] {strides = array<i32>} : memref<32768xf32, #tpu.memory_space<vmem>>, vector<16xf32>,
      tpu.vector_store %arg11[%parallel_loop3A_80], %broadcast_in_dim3A_18 {strides = array<i32>} : memref<32768xf32, #tpu.memory_space<vmem>>, vector<16xf32>,
    } {sc.loop_unroll_factor = 8 : i64, sc.parallel_access}
    %dma_wait3A = arith.constant 0 : i32
    %dma_wait3A_21 = tpu.memref_slice %arg2[%add3A, %dma_wait3A] : memref<32x1536xf32, #tpu.memory_space<hbm>> -> memref<1x1536xf32, #tpu.memory_space<hbm>>
    %dma_wait3A_22 = tpu.memref_squeeze %dma_wait3A_21 : memref<1x1536xf32, #tpu.memory_space<hbm>> -> memref<1536xf32, #tpu.memory_space<hbm>>
    %dma_wait3A_23 = arith.constant 0 : i32
    %dma_wait3A_24 = tpu.memref_slice %arg2[%add3A, %dma_wait3A_23] : memref<32x1536xf32, #tpu.memory_space<hbm>> -> memref<1x1536xf32, #tpu.memory_space<hbm>>
    %dma_wait3A_25 = tpu.memref_squeeze %dma_wait3A_24 : memref<1x1536xf32, #tpu.memory_space<hbm>> -> memref<1536xf32, #tpu.memory_space<hbm>>
    tpu.wait_dma2 semaphore(%arg15 : memref<!tpu.dma_semaphore, #tpu.memory_space<semaphore_mem>>) src(%dma_wait3A_25 : memref<1536xf32, #tpu.memory_space<hbm>>) dst(%arg7 : memref<1536xf32, #tpu.memory_space<vmem>>)
    %dma_wait3A_26 = arith.constant 0 : i32
    %dma_wait3A_27 = tpu.memref_slice %arg3[%add3A, %dma_wait3A_26] : memref<32x16384xi32, #tpu.memory_space<hbm>> -> memref<1x16384xi32, #tpu.memory_space<hbm>>
    %dma_wait3A_28 = tpu.memref_squeeze %dma_wait3A_27 : memref<1x16384xi32, #tpu.memory_space<hbm>> -> memref<16384xi32, #tpu.memory_space<hbm>>
    %dma_wait3A_29 = arith.constant 0 : i32
    %dma_wait3A_30 = tpu.memref_slice %arg3[%add3A, %dma_wait3A_29] : memref<32x16384xi32, #tpu.memory_space<hbm>> -> memref<1x16384xi32, #tpu.memory_space<hbm>>
    %dma_wait3A_31 = tpu.memref_squeeze %dma_wait3A_30 : memref<1x16384xi32, #tpu.memory_space<hbm>> -> memref<16384xi32, #tpu.memory_space<hbm>>
    tpu.wait_dma2 semaphore(%arg15 : memref<!tpu.dma_semaphore, #tpu.memory_space<semaphore_mem>>) src(%dma_wait3A_31 : memref<16384xi32, #tpu.memory_space<hbm>>) dst(%arg8 : memref<16384xi32, #tpu.memory_space<vmem>>)
    %dma_wait3A_32 = arith.constant 0 : i32
    %dma_wait3A_33 = tpu.memref_slice %arg4[%add3A, %dma_wait3A_32] : memref<32x16384xi32, #tpu.memory_space<hbm>> -> memref<1x16384xi32, #tpu.memory_space<hbm>>
    %dma_wait3A_34 = tpu.memref_squeeze %dma_wait3A_33 : memref<1x16384xi32, #tpu.memory_space<hbm>> -> memref<16384xi32, #tpu.memory_space<hbm>>
    %dma_wait3A_35 = arith.constant 0 : i32
    %dma_wait3A_36 = tpu.memref_slice %arg4[%add3A, %dma_wait3A_35] : memref<32x16384xi32, #tpu.memory_space<hbm>> -> memref<1x16384xi32, #tpu.memory_space<hbm>>
    %dma_wait3A_37 = tpu.memref_squeeze %dma_wait3A_36 : memref<1x16384xi32, #tpu.memory_space<hbm>> -> memref<16384xi32, #tpu.memory_space<hbm>>
    tpu.wait_dma2 semaphore(%arg15 : memref<!tpu.dma_semaphore, #tpu.memory_space<semaphore_mem>>) src(%dma_wait3A_37 : memref<16384xi32, #tpu.memory_space<hbm>>) dst(%arg9 : memref<16384xi32, #tpu.memory_space<vmem>>)
    tpu.wait_dma2 semaphore(%arg15 : memref<!tpu.dma_semaphore, #tpu.memory_space<semaphore_mem>>) src(%arg5 : memref<48xf32, #tpu.memory_space<hbm>>) dst(%arg10 : memref<48xf32, #tpu.memory_space<vmem>>)
    %iota3A = tpu.iota {dimensions = array<i32: 0>} : vector<16xi32>
    %mul3A_38 = arith.constant 3 : i32
    %mul3A_39 = vector.broadcast %mul3A_38 : i32 to vector<16xi32>
    %mul3A_40 = arith.muli %iota3A, %mul3A_39 : vector<16xi32>
    %gather3A = tpu.vector_load_idx %arg10[%mul3A_40] : memref<48xf32, #tpu.memory_space<vmem>>[vector<16xi32>], vector<16xf32>,
    %mul3A_41 = arith.constant 3 : i32
    %mul3A_42 = vector.broadcast %mul3A_41 : i32 to vector<16xi32>
    %mul3A_43 = arith.muli %iota3A, %mul3A_42 : vector<16xi32>
    %add3A_44 = arith.constant 1 : i32
    %add3A_45 = vector.broadcast %add3A_44 : i32 to vector<16xi32>
    %add3A_46 = arith.addi %mul3A_43, %add3A_45 : vector<16xi32>
    %gather3A_47 = tpu.vector_load_idx %arg10[%add3A_46] : memref<48xf32, #tpu.memory_space<vmem>>[vector<16xi32>], vector<16xf32>,
    %mul3A_48 = arith.constant 3 : i32
    %mul3A_49 = vector.broadcast %mul3A_48 : i32 to vector<16xi32>
    %mul3A_50 = arith.muli %iota3A, %mul3A_49 : vector<16xi32>
    %add3A_51 = arith.constant 2 : i32
    %add3A_52 = vector.broadcast %add3A_51 : i32 to vector<16xi32>
    %add3A_53 = arith.addi %mul3A_50, %add3A_52 : vector<16xi32>
    %gather3A_54 = tpu.vector_load_idx %arg10[%add3A_53] : memref<48xf32, #tpu.memory_space<vmem>>[vector<16xi32>], vector<16xf32>,
    %swap3A = arith.constant 0 : index
    %swap3A_55 = tpu.vector_load %arg14[%swap3A] {strides = array<i32>} : memref<64xf32, #tpu.memory_space<vmem>>, vector<16xf32>,
    tpu.vector_store %arg14[%swap3A], %gather3A {strides = array<i32>} : memref<64xf32, #tpu.memory_space<vmem>>, vector<16xf32>,
    %swap3A_56 = arith.constant 16 : index
    %swap3A_57 = tpu.vector_load %arg14[%swap3A_56] {strides = array<i32>} : memref<64xf32, #tpu.memory_space<vmem>>, vector<16xf32>,
    tpu.vector_store %arg14[%swap3A_56], %gather3A_47 {strides = array<i32>} : memref<64xf32, #tpu.memory_space<vmem>>, vector<16xf32>,
    %neg3A = arith.constant 0.000000e+00 : f32
    %neg3A_58 = vector.broadcast %neg3A : f32 to vector<16xf32>
    %neg3A_59 = arith.subf %neg3A_58, %gather3A_54 : vector<16xf32>
    %swap3A_60 = arith.constant 32 : index
    %swap3A_61 = tpu.vector_load %arg14[%swap3A_60] {strides = array<i32>} : memref<64xf32, #tpu.memory_space<vmem>>, vector<16xf32>,
    tpu.vector_store %arg14[%swap3A_60], %neg3A_59 {strides = array<i32>} : memref<64xf32, #tpu.memory_space<vmem>>, vector<16xf32>,
    %div3A = arith.constant 3.14159274 : f32
    %div3A_62 = vector.broadcast %div3A : f32 to vector<16xf32>
    %div3A_63 = arith.divf %div3A_62, %gather3A : vector<16xf32>
    %swap3A_64 = arith.constant 48 : index
    %swap3A_65 = tpu.vector_load %arg14[%swap3A_64] {strides = array<i32>} : memref<64xf32, #tpu.memory_space<vmem>>, vector<16xf32>,
    tpu.vector_store %arg14[%swap3A_64], %div3A_63 {strides = array<i32>} : memref<64xf32, #tpu.memory_space<vmem>>, vector<16xf32>,
    %scan3A = arith.constant 0 : i32
    %scan3A_66 = arith.constant 0 : i32
    %scan3A_67 = arith.constant 32 : i32
    %scan3A_68 = arith.addi %scan3A_66, %scan3A_67 : i32
    %scan3A_69 = arith.constant 1 : i32
    scf.for %scan3A_77 = %scan3A_66 to %scan3A_68 step %scan3A_69  : i32 {
      %mul3A_78 = arith.constant 16 : i32
      %mul3A_79 = arith.muli %scan3A_77, %mul3A_78 : i32
      %add3A_80 = vector.broadcast %mul3A_79 : i32 to vector<16xi32>
      %add3A_81 = arith.addi %add3A_80, %iota3A : vector<16xi32>
      %mul3A_82 = arith.constant 3 : i32
      %mul3A_83 = vector.broadcast %mul3A_82 : i32 to vector<16xi32>
      %mul3A_84 = arith.muli %add3A_81, %mul3A_83 : vector<16xi32>
      %gather3A_85 = tpu.vector_load_idx %arg7[%mul3A_84] : memref<1536xf32, #tpu.memory_space<vmem>>[vector<16xi32>], vector<16xf32>,
      %add3A_86 = arith.constant 1 : i32
      %add3A_87 = vector.broadcast %add3A_86 : i32 to vector<16xi32>
      %add3A_88 = arith.addi %mul3A_84, %add3A_87 : vector<16xi32>
      %gather3A_89 = tpu.vector_load_idx %arg7[%add3A_88] : memref<1536xf32, #tpu.memory_space<vmem>>[vector<16xi32>], vector<16xf32>,
      %add3A_90 = arith.constant 2 : i32
      %add3A_91 = vector.broadcast %add3A_90 : i32 to vector<16xi32>
      %add3A_92 = arith.addi %mul3A_84, %add3A_91 : vector<16xi32>
      %gather3A_93 = tpu.vector_load_idx %arg7[%add3A_92] : memref<1536xf32, #tpu.memory_space<vmem>>[vector<16xi32>], vector<16xf32>,
      %mul3A_94 = arith.constant 32 : i32
      %mul3A_95 = vector.broadcast %mul3A_94 : i32 to vector<16xi32>
      %mul3A_96 = arith.muli %add3A_81, %mul3A_95 : vector<16xi32>
      %mul3A_97 = arith.constant 64 : i32
      %mul3A_98 = vector.broadcast %mul3A_97 : i32 to vector<16xi32>
      %mul3A_99 = arith.muli %add3A_81, %mul3A_98 : vector<16xi32>
      %mul3A_100 = arith.constant 32 : i32
      %mul3A_101 = arith.muli %scan3A_77, %mul3A_100 : i32
      %parallel_loop3A_102 = arith.constant 0 : i32
      %parallel_loop3A_103 = arith.constant 32 : i32
      %parallel_loop3A_104 = arith.constant 1 : i32
      scf.for %parallel_loop3A_105 = %parallel_loop3A_102 to %parallel_loop3A_103 step %parallel_loop3A_104  : i32 {
        %parallel_loop3A_106 = vector.broadcast %parallel_loop3A_105 : i32 to vector<16xi32>
        %parallel_loop3A_107 = arith.addi %mul3A_96, %parallel_loop3A_106 : vector<16xi32>
        %parallel_loop3A_108 = tpu.vector_load_idx %arg8[%parallel_loop3A_107] : memref<16384xi32, #tpu.memory_space<vmem>>[vector<16xi32>], vector<16xi32>,
        %parallel_loop3A_109 = tpu.vector_load_idx %arg9[%parallel_loop3A_107] : memref<16384xi32, #tpu.memory_space<vmem>>[vector<16xi32>], vector<16xi32>,
        %parallel_loop3A_110 = arith.constant 3 : i32
        %parallel_loop3A_111 = vector.broadcast %parallel_loop3A_110 : i32 to vector<16xi32>
        %parallel_loop3A_112 = arith.muli %parallel_loop3A_108, %parallel_loop3A_111 : vector<16xi32>
        %parallel_loop3A_113 = tpu.vector_load_idx %arg7[%parallel_loop3A_112] : memref<1536xf32, #tpu.memory_space<vmem>>[vector<16xi32>], vector<16xf32>,
        %parallel_loop3A_114 = arith.subf %parallel_loop3A_113, %gather3A_85 : vector<16xf32>
        %parallel_loop3A_115 = arith.constant 1 : i32
        %parallel_loop3A_116 = vector.broadcast %parallel_loop3A_115 : i32 to vector<16xi32>
        %parallel_loop3A_117 = arith.addi %parallel_loop3A_112, %parallel_loop3A_116 : vector<16xi32>
        %parallel_loop3A_118 = tpu.vector_load_idx %arg7[%parallel_loop3A_117] : memref<1536xf32, #tpu.memory_space<vmem>>[vector<16xi32>], vector<16xf32>,
        %parallel_loop3A_119 = arith.subf %parallel_loop3A_118, %gather3A_89 : vector<16xf32>
        %parallel_loop3A_120 = arith.constant 2 : i32
        %parallel_loop3A_121 = vector.broadcast %parallel_loop3A_120 : i32 to vector<16xi32>
        %parallel_loop3A_122 = arith.addi %parallel_loop3A_112, %parallel_loop3A_121 : vector<16xi32>
        %parallel_loop3A_123 = tpu.vector_load_idx %arg7[%parallel_loop3A_122] : memref<1536xf32, #tpu.memory_space<vmem>>[vector<16xi32>], vector<16xf32>,
        %parallel_loop3A_124 = arith.subf %parallel_loop3A_123, %gather3A_93 : vector<16xf32>
        %parallel_loop3A_125 = arith.mulf %parallel_loop3A_114, %parallel_loop3A_114 : vector<16xf32>
        %parallel_loop3A_126 = arith.mulf %parallel_loop3A_119, %parallel_loop3A_119 : vector<16xf32>
        %parallel_loop3A_127 = arith.addf %parallel_loop3A_125, %parallel_loop3A_126 : vector<16xf32>
        %parallel_loop3A_128 = arith.mulf %parallel_loop3A_124, %parallel_loop3A_124 : vector<16xf32>
        %parallel_loop3A_129 = arith.addf %parallel_loop3A_127, %parallel_loop3A_128 : vector<16xf32>
        %parallel_loop3A_130 = tpu.bitcast %parallel_loop3A_129 : vector<16xf32> -> vector<16xi32>
        %parallel_loop3A_131 = arith.constant 1 : i32
        %parallel_loop3A_132 = vector.broadcast %parallel_loop3A_131 : i32 to vector<16xi32>
        %parallel_loop3A_133 = arith.shrsi %parallel_loop3A_130, %parallel_loop3A_132 : vector<16xi32>
        %parallel_loop3A_134 = arith.constant 1597463007 : i32
        %parallel_loop3A_135 = vector.broadcast %parallel_loop3A_134 : i32 to vector<16xi32>
        %parallel_loop3A_136 = arith.subi %parallel_loop3A_135, %parallel_loop3A_133 : vector<16xi32>
        %parallel_loop3A_137 = tpu.bitcast %parallel_loop3A_136 : vector<16xi32> -> vector<16xf32>
        %parallel_loop3A_138 = arith.constant 5.000000e-01 : f32
        %parallel_loop3A_139 = vector.broadcast %parallel_loop3A_138 : f32 to vector<16xf32>
        %parallel_loop3A_140 = arith.mulf %parallel_loop3A_139, %parallel_loop3A_129 : vector<16xf32>
        %parallel_loop3A_141 = arith.mulf %parallel_loop3A_140, %parallel_loop3A_137 : vector<16xf32>
        %parallel_loop3A_142 = arith.mulf %parallel_loop3A_141, %parallel_loop3A_137 : vector<16xf32>
        %parallel_loop3A_143 = arith.constant 1.500000e+00 : f32
        %parallel_loop3A_144 = vector.broadcast %parallel_loop3A_143 : f32 to vector<16xf32>
        %parallel_loop3A_145 = arith.subf %parallel_loop3A_144, %parallel_loop3A_142 : vector<16xf32>
        %parallel_loop3A_146 = arith.mulf %parallel_loop3A_137, %parallel_loop3A_145 : vector<16xf32>
        %parallel_loop3A_147 = arith.mulf %parallel_loop3A_140, %parallel_loop3A_146 : vector<16xf32>
        %parallel_loop3A_148 = arith.mulf %parallel_loop3A_147, %parallel_loop3A_146 : vector<16xf32>
        %parallel_loop3A_149 = arith.constant 1.500000e+00 : f32
        %parallel_loop3A_150 = vector.broadcast %parallel_loop3A_149 : f32 to vector<16xf32>
        %parallel_loop3A_151 = arith.subf %parallel_loop3A_150, %parallel_loop3A_148 : vector<16xf32>
        %parallel_loop3A_152 = arith.mulf %parallel_loop3A_146, %parallel_loop3A_151 : vector<16xf32>
        %parallel_loop3A_153 = arith.mulf %parallel_loop3A_140, %parallel_loop3A_152 : vector<16xf32>
        %parallel_loop3A_154 = arith.mulf %parallel_loop3A_153, %parallel_loop3A_152 : vector<16xf32>
        %parallel_loop3A_155 = arith.constant 1.500000e+00 : f32
        %parallel_loop3A_156 = vector.broadcast %parallel_loop3A_155 : f32 to vector<16xf32>
        %parallel_loop3A_157 = arith.subf %parallel_loop3A_156, %parallel_loop3A_154 : vector<16xf32>
        %parallel_loop3A_158 = arith.mulf %parallel_loop3A_152, %parallel_loop3A_157 : vector<16xf32>
        %parallel_loop3A_159 = arith.mulf %parallel_loop3A_129, %parallel_loop3A_158 : vector<16xf32>
        %parallel_loop3A_160 = arith.constant 1 : i32
        %parallel_loop3A_161 = vector.broadcast %parallel_loop3A_160 : i32 to vector<16xi32>
        %parallel_loop3A_162 = arith.cmpi sge, %parallel_loop3A_109, %parallel_loop3A_161 : vector<16xi32>
        %parallel_loop3A_163 = arith.constant 4 : i32
        %parallel_loop3A_164 = vector.broadcast %parallel_loop3A_163 : i32 to vector<16xi32>
        %parallel_loop3A_165 = arith.cmpi sle, %parallel_loop3A_109, %parallel_loop3A_164 : vector<16xi32>
        %parallel_loop3A_166 = arith.andi %parallel_loop3A_162, %parallel_loop3A_165 : vector<16xi1>
        %parallel_loop3A_167 = arith.addi %mul3A_101, %parallel_loop3A_105 : i32
        %parallel_loop3A_168 = arith.constant 16 : i32
        %parallel_loop3A_169 = arith.muli %parallel_loop3A_167, %parallel_loop3A_168 : i32
        %parallel_loop3A_170 = arith.constant 9.99999984E+17 : f32
        %parallel_loop3A_171 = vector.broadcast %parallel_loop3A_170 : f32 to vector<16xf32>
        %parallel_loop3A_172 = arith.select %parallel_loop3A_166, %parallel_loop3A_159, %parallel_loop3A_171 : vector<16xi1>, vector<16xf32>
        %parallel_loop3A_173 = arith.index_cast %parallel_loop3A_169 : i32 to index
        %parallel_loop3A_174 = tpu.vector_load %arg12[%parallel_loop3A_173] {strides = array<i32>} : memref<16384xf32, #tpu.memory_space<vmem>>, vector<16xf32>,
        tpu.vector_store %arg12[%parallel_loop3A_173], %parallel_loop3A_172 {strides = array<i32>} : memref<16384xf32, #tpu.memory_space<vmem>>, vector<16xf32>,
        %parallel_loop3A_175 = arith.constant 1 : i32
        %parallel_loop3A_176 = vector.broadcast %parallel_loop3A_175 : i32 to vector<16xi32>
        %parallel_loop3A_177 = arith.subi %parallel_loop3A_109, %parallel_loop3A_176 : vector<16xi32>
        %parallel_loop3A_178 = arith.addi %mul3A_99, %parallel_loop3A_177 : vector<16xi32>
        %parallel_loop3A_179 = arith.constant 0 : i32
        %parallel_loop3A_180 = vector.broadcast %parallel_loop3A_179 : i32 to vector<16xi32>
        %parallel_loop3A_181 = arith.maxsi %parallel_loop3A_178, %parallel_loop3A_180 : vector<16xi32>
        %parallel_loop3A_182 = arith.index_cast %parallel_loop3A_169 : i32 to index
        %parallel_loop3A_183 = tpu.vector_load %arg13[%parallel_loop3A_182] {strides = array<i32>} : memref<16384xi32, #tpu.memory_space<vmem>>, vector<16xi32>,
        tpu.vector_store %arg13[%parallel_loop3A_182], %parallel_loop3A_181 {strides = array<i32>} : memref<16384xi32, #tpu.memory_space<vmem>>, vector<16xi32>,
      } {sc.loop_unroll_factor = 4 : i64, sc.parallel_access}
    }
    %scan3A_70 = arith.constant 32 : i32
    %scan3A_71 = arith.constant 0 : i32
    %scan3A_72 = arith.constant 0 : i32
    %scan3A_73 = arith.constant 16 : i32
    %scan3A_74 = arith.addi %scan3A_72, %scan3A_73 : i32
    %scan3A_75 = arith.constant 1 : i32
    scf.for %scan3A_77 = %scan3A_72 to %scan3A_74 step %scan3A_75  : i32 {
      %broadcast_in_dim3A_78 = vector.broadcast %scan3A_77 : i32 to vector<16xi32>
      %gather3A_79 = tpu.vector_load_idx %arg14[%broadcast_in_dim3A_78] : memref<64xf32, #tpu.memory_space<vmem>>[vector<16xi32>], vector<16xf32>,
      %add3A_80 = arith.constant 16 : i32
      %add3A_81 = arith.addi %scan3A_77, %add3A_80 : i32
      %broadcast_in_dim3A_82 = vector.broadcast %add3A_81 : i32 to vector<16xi32>
      %gather3A_83 = tpu.vector_load_idx %arg14[%broadcast_in_dim3A_82] : memref<64xf32, #tpu.memory_space<vmem>>[vector<16xi32>], vector<16xf32>,
      %add3A_84 = arith.constant 32 : i32
      %add3A_85 = arith.addi %scan3A_77, %add3A_84 : i32
      %broadcast_in_dim3A_86 = vector.broadcast %add3A_85 : i32 to vector<16xi32>
      %gather3A_87 = tpu.vector_load_idx %arg14[%broadcast_in_dim3A_86] : memref<64xf32, #tpu.memory_space<vmem>>[vector<16xi32>], vector<16xf32>,
      %add3A_88 = arith.constant 48 : i32
      %add3A_89 = arith.addi %scan3A_77, %add3A_88 : i32
      %broadcast_in_dim3A_90 = vector.broadcast %add3A_89 : i32 to vector<16xi32>
      %gather3A_91 = tpu.vector_load_idx %arg14[%broadcast_in_dim3A_90] : memref<64xf32, #tpu.memory_space<vmem>>[vector<16xi32>], vector<16xf32>,
      %mul3A_92 = arith.constant 4 : i32
      %mul3A_93 = arith.muli %scan3A_77, %mul3A_92 : i32
      %parallel_loop3A_94 = arith.constant 0 : i32
      %parallel_loop3A_95 = arith.constant 1024 : i32
      %parallel_loop3A_96 = arith.constant 1 : i32
      scf.for %parallel_loop3A_97 = %parallel_loop3A_94 to %parallel_loop3A_95 step %parallel_loop3A_96  : i32 {
        %parallel_loop3A_98 = arith.constant 16 : i32
        %parallel_loop3A_99 = arith.muli %parallel_loop3A_97, %parallel_loop3A_98 : i32
        %parallel_loop3A_100 = arith.index_cast %parallel_loop3A_99 : i32 to index
        %parallel_loop3A_101 = tpu.vector_load %arg12[%parallel_loop3A_100] {strides = array<i32>} : memref<16384xf32, #tpu.memory_space<vmem>>, vector<16xf32>,
        %parallel_loop3A_102 = arith.index_cast %parallel_loop3A_99 : i32 to index
        %parallel_loop3A_103 = tpu.vector_load %arg13[%parallel_loop3A_102] {strides = array<i32>} : memref<16384xi32, #tpu.memory_space<vmem>>, vector<16xi32>,
        %parallel_loop3A_104 = arith.subf %parallel_loop3A_101, %gather3A_83 : vector<16xf32>
        %parallel_loop3A_105 = arith.mulf %gather3A_87, %parallel_loop3A_104 : vector<16xf32>
        %parallel_loop3A_106 = arith.mulf %parallel_loop3A_105, %parallel_loop3A_104 : vector<16xf32>
        %parallel_loop3A_107 = math.exp %parallel_loop3A_106 : vector<16xf32>
        %parallel_loop3A_108 = arith.mulf %parallel_loop3A_101, %gather3A_91 : vector<16xf32>
        %parallel_loop3A_109 = arith.mulf %parallel_loop3A_108, %parallel_loop3A_108 : vector<16xf32>
        %parallel_loop3A_110 = arith.constant 9.53251583E-6 : f32
        %parallel_loop3A_111 = vector.broadcast %parallel_loop3A_110 : f32 to vector<16xf32>
        %parallel_loop3A_112 = arith.mulf %parallel_loop3A_109, %parallel_loop3A_111 : vector<16xf32>
        %parallel_loop3A_113 = arith.constant -6.720520e-04 : f32
        %parallel_loop3A_114 = vector.broadcast %parallel_loop3A_113 : f32 to vector<16xf32>
        %parallel_loop3A_115 = arith.addf %parallel_loop3A_114, %parallel_loop3A_112 : vector<16xf32>
        %parallel_loop3A_116 = arith.mulf %parallel_loop3A_109, %parallel_loop3A_115 : vector<16xf32>
        %parallel_loop3A_117 = arith.constant 0.0207611453 : f32
        %parallel_loop3A_118 = vector.broadcast %parallel_loop3A_117 : f32 to vector<16xf32>
        %parallel_loop3A_119 = arith.addf %parallel_loop3A_118, %parallel_loop3A_116 : vector<16xf32>
        %parallel_loop3A_120 = arith.mulf %parallel_loop3A_109, %parallel_loop3A_119 : vector<16xf32>
        %parallel_loop3A_121 = arith.constant -0.249918789 : f32
        %parallel_loop3A_122 = vector.broadcast %parallel_loop3A_121 : f32 to vector<16xf32>
        %parallel_loop3A_123 = arith.addf %parallel_loop3A_122, %parallel_loop3A_120 : vector<16xf32>
        %parallel_loop3A_124 = arith.mulf %parallel_loop3A_109, %parallel_loop3A_123 : vector<16xf32>
        %parallel_loop3A_125 = arith.constant 0.999985575 : f32
        %parallel_loop3A_126 = vector.broadcast %parallel_loop3A_125 : f32 to vector<16xf32>
        %parallel_loop3A_127 = arith.addf %parallel_loop3A_126, %parallel_loop3A_124 : vector<16xf32>
        %parallel_loop3A_128 = arith.cmpf ole, %parallel_loop3A_101, %gather3A_79 : vector<16xf32>
        %parallel_loop3A_129 = arith.constant 0.000000e+00 : f32
        %parallel_loop3A_130 = vector.broadcast %parallel_loop3A_129 : f32 to vector<16xf32>
        %parallel_loop3A_131 = arith.select %parallel_loop3A_128, %parallel_loop3A_127, %parallel_loop3A_130 : vector<16xi1>, vector<16xf32>
        %parallel_loop3A_132 = arith.mulf %parallel_loop3A_107, %parallel_loop3A_131 : vector<16xf32>
        %parallel_loop3A_133 = vector.broadcast %mul3A_93 : i32 to vector<16xi32>
        %parallel_loop3A_134 = arith.addi %parallel_loop3A_103, %parallel_loop3A_133 : vector<16xi32>
        tpu.vector_store_idx %arg11[%parallel_loop3A_134], %parallel_loop3A_132 {add = true} : memref<32768xf32, #tpu.memory_space<vmem>>[vector<16xi32>], vector<16xf32>,
      } {sc.loop_unroll_factor = 4 : i64, sc.parallel_access}
    }
    %scan3A_76 = arith.constant 16 : i32
    "tpu.region"() ({
      %run_scoped3A = tpu.sem_alloc : memref<!tpu.dma_semaphore, #tpu.memory_space<semaphore_mem>>
      %dma_start3A_77 = arith.constant 0 : i32
      %dma_start3A_78 = tpu.memref_slice %arg6[%add3A, %dma_start3A_77] : memref<32x32768xf32, #tpu.memory_space<hbm>> -> memref<1x32768xf32, #tpu.memory_space<hbm>>
      %dma_start3A_79 = tpu.memref_squeeze %dma_start3A_78 : memref<1x32768xf32, #tpu.memory_space<hbm>> -> memref<32768xf32, #tpu.memory_space<hbm>>
      %dma_start3A_80 = arith.constant 0 : i32
      %dma_start3A_81 = tpu.memref_slice %arg6[%add3A, %dma_start3A_80] : memref<32x32768xf32, #tpu.memory_space<hbm>> -> memref<1x32768xf32, #tpu.memory_space<hbm>>
      %dma_start3A_82 = tpu.memref_squeeze %dma_start3A_81 : memref<1x32768xf32, #tpu.memory_space<hbm>> -> memref<32768xf32, #tpu.memory_space<hbm>>
      tpu.enqueue_dma source(%arg11 : memref<32768xf32, #tpu.memory_space<vmem>>) target(%dma_start3A_82 : memref<32768xf32, #tpu.memory_space<hbm>>) target_semaphore(%run_scoped3A : memref<!tpu.dma_semaphore, #tpu.memory_space<semaphore_mem>>)
      %dma_wait3A_83 = arith.constant 0 : i32
      %dma_wait3A_84 = tpu.memref_slice %arg6[%add3A, %dma_wait3A_83] : memref<32x32768xf32, #tpu.memory_space<hbm>> -> memref<1x32768xf32, #tpu.memory_space<hbm>>
      %dma_wait3A_85 = tpu.memref_squeeze %dma_wait3A_84 : memref<1x32768xf32, #tpu.memory_space<hbm>> -> memref<32768xf32, #tpu.memory_space<hbm>>
      %dma_wait3A_86 = arith.constant 0 : i32
      %dma_wait3A_87 = tpu.memref_slice %arg6[%add3A, %dma_wait3A_86] : memref<32x32768xf32, #tpu.memory_space<hbm>> -> memref<1x32768xf32, #tpu.memory_space<hbm>>
      %dma_wait3A_88 = tpu.memref_squeeze %dma_wait3A_87 : memref<1x32768xf32, #tpu.memory_space<hbm>> -> memref<32768xf32, #tpu.memory_space<hbm>>
      tpu.wait_dma2 semaphore(%run_scoped3A : memref<!tpu.dma_semaphore, #tpu.memory_space<semaphore_mem>>) src(%arg11 : memref<32768xf32, #tpu.memory_space<vmem>>) dst(%dma_wait3A_88 : memref<32768xf32, #tpu.memory_space<hbm>>)
      tpu.yield
    }) : () -> ()
    return
  }
}

module attributes {stable_mosaic.version = 14 : i64} {
  func.func @_bn_body(%arg0: i32, %arg1: memref<32x2048xf32, #tpu.memory_space<vmem>>, %arg2: memref<32x2048xf32, #tpu.memory_space<vmem>>) attributes {dimension_semantics = [#tpu.dimension_semantics<arbitrary>], iteration_bounds = array<i64: 16>, scalar_prefetch = 0 : i64, scratch_operands = 0 : i64, tpu.core_type = #tpu.core_type<tc>, window_params = [{transform_indices = @transform_0, window_bounds = array<i64: 32, 2048>}, {transform_indices = @transform_1, window_bounds = array<i64: 32, 2048>}]} {
    %get3A = arith.constant 0 : index
    %get3A_0 = arith.constant 0 : index
    %get3A_1 = vector.load %arg1[%get3A, %get3A_0] : memref<32x2048xf32, #tpu.memory_space<vmem>>, vector<32x2048xf32>
    %reduce_sum3A = arith.constant dense<0.000000e+00> : vector<2048xf32>
    %reduce_sum3A_2 = vector.multi_reduction <add>, %get3A_1, %reduce_sum3A [0] : vector<32x2048xf32> to vector<2048xf32>
    %broadcast_in_dim3A = vector.shape_cast %reduce_sum3A_2 : vector<2048xf32> to vector<1x2048xf32>
    %div3A = arith.constant 3.200000e+01 : f32
    %div3A_3 = vector.broadcast %div3A : f32 to vector<1x2048xf32>
    %div3A_4 = arith.divf %broadcast_in_dim3A, %div3A_3 : vector<1x2048xf32>
    %sub3A = vector.broadcast %div3A_4 : vector<1x2048xf32> to vector<32x2048xf32>
    %sub3A_5 = arith.subf %get3A_1, %sub3A : vector<32x2048xf32>
    %mul3A = arith.mulf %sub3A_5, %sub3A_5 : vector<32x2048xf32>
    %reduce_sum3A_6 = arith.constant dense<0.000000e+00> : vector<2048xf32>
    %reduce_sum3A_7 = vector.multi_reduction <add>, %mul3A, %reduce_sum3A_6 [0] : vector<32x2048xf32> to vector<2048xf32>
    %broadcast_in_dim3A_8 = vector.shape_cast %reduce_sum3A_7 : vector<2048xf32> to vector<1x2048xf32>
    %div3A_9 = arith.constant 3.200000e+01 : f32
    %div3A_10 = vector.broadcast %div3A_9 : f32 to vector<1x2048xf32>
    %div3A_11 = arith.divf %broadcast_in_dim3A_8, %div3A_10 : vector<1x2048xf32>
    %add3A = arith.constant 1.000000e-03 : f32
    %add3A_12 = vector.broadcast %add3A : f32 to vector<1x2048xf32>
    %add3A_13 = arith.addf %div3A_11, %add3A_12 : vector<1x2048xf32>
    %rsqrt3A = math.rsqrt %add3A_13 : vector<1x2048xf32>
    %mul3A_14 = vector.broadcast %rsqrt3A : vector<1x2048xf32> to vector<32x2048xf32>
    %mul3A_15 = arith.mulf %sub3A_5, %mul3A_14 : vector<32x2048xf32>
    %swap3A = arith.constant 0 : index
    %swap3A_16 = arith.constant 0 : index
    %swap3A_17 = vector.load %arg2[%swap3A, %swap3A_16] : memref<32x2048xf32, #tpu.memory_space<vmem>>, vector<32x2048xf32>
    tpu.vector_store %arg2[%swap3A, %swap3A_16], %mul3A_15 {strides = array<i32>} : memref<32x2048xf32, #tpu.memory_space<vmem>>, vector<32x2048xf32>,
    return
  }
  func.func @transform_0(%arg0: i32) -> (i32, i32) {
    %c0_i32 = arith.constant 0 : i32
    %c0_i32_0 = arith.constant 0 : i32
    return %c0_i32, %arg0 : i32, i32
  }
  func.func @transform_1(%arg0: i32) -> (i32, i32) {
    %c0_i32 = arith.constant 0 : i32
    %c0_i32_0 = arith.constant 0 : i32
    return %c0_i32, %arg0 : i32, i32
  }
}

</mosaic_0001>

<sc_bundles>
// kernel: kernel.4.cloned.1.call-start
scs
__scs_entry_jumppad:
0x0: {  	(pc) =	sbr.rel $0x88, $3  }
0x1: {  	(tag) =	ssettag $0x0;
	lr =	simm.s32 $0x1  }
0x2: {  	[smem:$0x3F9D] =	sst lr;
	_ =	strace $0xD0000000  }
0x3: {  	_ = 	snop  }
0x4: {  	_ = 	snop  }
0x5: {  	_ = 	snop  }
0x6: {  	_ = 	snop  }
0x7: {  	_ = 	snop  }
__scs_overlays_trampoline_lowered:
0x8: {  	[smem:$0x3FAC] =	sst s0  }
0x9: {  	[smem:$0x3FAD] =	sst s1  }
0xa: {  	[smem:$0x3FAE] =	sst s2  }
0xb: {  	[smem:$0x3FAF] =	sst s3  }
0xc: {  	[smem:$0x3FB0] =	sst s4  }
0xd: {  	[smem:$0x3FB1] =	sst s5  }
0xe: {  	[smem:$0x3FB2] =	sst s6  }
0xf: {  	[smem:$0x3FB3] =	sst s7  }
0x10: {  	[smem:$0x3FB4] =	sst s8  }
0x11: {  	[smem:$0x3FB5] =	sst s9;
	s0 =	simm.s32 @!p0 $0x0  }
0x12: {  	s1 =	sld [smem:$0x3F9B];
	s0 =	simm.s32 @p0 $0x1  }
0x13: {  	[smem:$0x3FB6] =	sst s0;
	s0 =	simm.s32 @!p1 $0x0  }
0x14: {  	s2 =	sld [smem:$0x3F9A];
	s0 =	simm.s32 @p1 $0x1  }
0x15: {  	[smem:$0x3FB7] =	sst s0;
	s0 =	simm.s32 @!p2 $0x0  }
0x16: {  	s3 =	sld [smem:$0x3FDB];
	s0 =	simm.s32 @p2 $0x1  }
0x17: {  	s4 =	simm.s32 $0x1BF5;
	[smem:$0x3FB9] =	sst s0  }
0x18: {  	s0 =	sld [smem:$0x3F9C];
	_ =	swait.ge [sflag:s4], $0x0  }
0x19: {  	s7 =	sld [smem:$0x3F9D]  }
0x1a: {  	s8 =	sadd.s32 $0xFFFFE003, lr  }
0x1b: {  	s9 =	sadd.s32 $0xFFFFFEF7, lr;
	s5 =	simm.s32 $0xFFFFFFFF;
	p2 =	slt.u32 s8, $0xFFFFF086  }
0x1c: {  	p1 =	slt.u32 s9, $0xF7A;
	s5 =	simm.s32 @!p2 $0x0  }
0x1d: {  	s5 =	simm.s32 @p1 $0x1;
	p0 =	seq.s32 s7, s2  }
0x1e: {  	s7 =	smul.u32 @!p0 $0xF7A, s2;
	p2 =	seq.s32 @!p0 s5, $0x0  }
0x1f: {  	s9 =	smul.u32 $0xF7A, s1;
	s8 =	simm.s32 @!p0 $0x1BF5;
	p2 =	por !p2, p0  }
0x20: {  	[sflag:s8] =	ssyncset.s32 @!p0 $0xFFFFF086;
	s6 =	sadd.s32 @!p0 s3, s7;
	s7 =	simm.s32 @!p0 $0x108  }
0x21: {  	s3 =	sadd.s32 s3, s9;
	s6 =	sadd.s32 @!p0 $0x88, s6;
	s7 =	simm.s32 @p2 $0x1082  }
0x22: {  	[simem:s7], [sflag:s8] =	dma.local @!p0 [hbm:s6], $0xF7A  }
0x23: {  	s9 =	sor.u32 $0xD0000000, s2;
	s6 =	simm.s32 $0x108;
	_ =	swait.ge @!p0 [sflag:s8], $0x0  }
0x24: {  	s3 =	sadd.s32 $0x88, s3;
	s6 =	simm.s32 @!p1 $0x1082;
	[sflag:s4] =	ssyncset.s32 $0xFFFFF086  }
0x25: {  	[simem:s6], [sflag:s4] =	dma.local [hbm:s3], $0xF7A  }
0x26: {  	[smem:$0x3F9D] =	sst s1;
	(tag) =	ssettag s2;
	_ =	strace s9  }
0x27: {  	s1 =	sld [smem:$0x3FAD]  }
0x28: {  	s2 =	sld [smem:$0x3FAE]  }
0x29: {  	s4 =	sld [smem:$0x3FB0]  }
0x2a: {  	p0 =	seq.s32 s5, $0x0;
	s5 =	sld [smem:$0x3FB1]  }
0x2b: {  	s6 =	sld [smem:$0x3FB2]  }
0x2c: {  	s7 =	sld [smem:$0x3FB3]  }
0x2d: {  	s3 =	simm.s32 $0x108;
	s8 =	sld [smem:$0x3FB4]  }
0x2e: {  	s3 =	simm.s32 @!p0 $0x1082;
	s9 =	sld [smem:$0x3FB5]  }
0x2f: {  	lr =	sadd.s32 s0, s3;
	s0 =	sld [smem:$0x3FAC]  }
0x30: {  	s3 =	sld [smem:$0x3FAF]  }
0x31: {  	[smem:$0x3FB8] =	sst s10  }
0x32: {  	s10 =	sld [smem:$0x3FB6];
	_ =	sdelay $0x3  }
0x33: {  	p0 =	seq.s32 s10, $0x1;
	s10 =	sld [smem:$0x3FB8];
	_ =	sdelay $0x3  }
0x34: {  	[smem:$0x3FB8] =	sst s10  }
0x35: {  	s10 =	sld [smem:$0x3FB7];
	_ =	sdelay $0x3  }
0x36: {  	p1 =	seq.s32 s10, $0x1;
	s10 =	sld [smem:$0x3FB8];
	_ =	sdelay $0x3  }
0x37: {  	[smem:$0x3FB8] =	sst s10  }
0x38: {  	s10 =	sld [smem:$0x3FB9]  }
0x39: {  	_ = 	snop;
	(pc) =	sbr.ind lr, $3  }
0x3a: {  	_ = 	snop  }
0x3b: {  	_ = 	snop  }
0x3c: {  	p2 =	seq.s32 s10, $0x1;
	s10 =	sld [smem:$0x3FB8]  }
0x3d: {  	_ =	shalt  }
0x3e: {  	_ =	shalt  }
0x3f: {  	_ =	shalt  }
0x40: {  	_ =	shalt  }
0x41: {  	_ =	shalt  }
0x42: {  	_ =	shalt  }
0x43: {  	_ =	shalt  }
0x44: {  	_ =	shalt  }
0x45: {  	_ =	shalt  }
0x46: {  	_ =	shalt  }
0x47: {  	_ =	shalt  }
0x48: {  	_ =	shalt  }
0x49: {  	_ =	shalt  }
0x4a: {  	_ =	shalt  }
0x4b: {  	_ =	shalt  }
0x4c: {  	_ =	shalt  }
0x4d: {  	_ =	shalt  }
0x4e: {  	_ =	shalt  }
0x4f: {  	_ =	shalt  }
0x50: {  	_ =	shalt  }
0x51: {  	_ =	shalt  }
0x52: {  	_ =	shalt  }
0x53: {  	_ =	shalt  }
0x54: {  	_ =	shalt  }
0x55: {  	_ =	shalt  }
0x56: {  	_ =	shalt  }
0x57: {  	_ =	shalt  }
0x58: {  	_ =	shalt  }
0x59: {  	_ =	shalt  }
0x5a: {  	_ =	shalt  }
0x5b: {  	_ =	shalt  }
0x5c: {  	_ =	shalt  }
0x5d: {  	_ =	shalt  }
0x5e: {  	_ =	shalt  }
0x5f: {  	_ =	shalt  }
0x60: {  	_ =	shalt  }
0x61: {  	_ =	shalt  }
0x62: {  	_ =	shalt  }
0x63: {  	_ =	shalt  }
0x64: {  	_ =	shalt  }
0x65: {  	_ =	shalt  }
0x66: {  	_ =	shalt  }
0x67: {  	_ =	shalt  }
0x68: {  	_ =	shalt  }
0x69: {  	_ =	shalt  }
0x6a: {  	_ =	shalt  }
0x6b: {  	_ =	shalt  }
0x6c: {  	_ =	shalt  }
0x6d: {  	_ =	shalt  }
0x6e: {  	_ =	shalt  }
0x6f: {  	_ =	shalt  }
0x70: {  	_ =	shalt  }
0x71: {  	_ =	shalt  }
0x72: {  	_ =	shalt  }
0x73: {  	_ =	shalt  }
0x74: {  	_ =	shalt  }
0x75: {  	_ =	shalt  }
0x76: {  	_ =	shalt  }
0x77: {  	_ =	shalt  }
0x78: {  	_ =	shalt  }
0x79: {  	_ =	shalt  }
0x7a: {  	_ =	shalt  }
0x7b: {  	_ =	shalt  }
0x7c: {  	_ =	shalt  }
0x7d: {  	_ =	shalt  }
0x7e: {  	_ =	shalt  }
0x7f: {  	_ =	shalt  }
0x80: {  	_ =	shalt  }
0x81: {  	_ =	shalt  }
0x82: {  	_ =	shalt  }
0x83: {  	_ =	shalt  }
0x84: {  	_ =	shalt  }
0x85: {  	_ =	shalt  }
0x86: {  	_ =	shalt  }
0x87: {  	_ =	shalt  }
.Lfunc_end0:
.L_simem_size_0:
called_computation_lowered:
.L_overlay_start_0:
0x88: {  	s2 =	sld [smem:$0x3FD9]  }
0x89: {  	s3 =	sld [smem:$0x3FFE];
	_ =	sdelay $0x1  }
0x8a: {  	s1 =	srdreg.scid  }
0x8b: {  	s0 =	sand.u32 $0x1, s1  }
0x8c: {  	s17 =	sshll.u32 s0, $0xA;
	s2 =	sadd.s32 s3, s2  }
0x8d: {  	s2 =	sadd.s32 s2, s17  }
0x8e: {  	[smem:$0x3FC4] =	sst s2  }
0x8f: {  	_ = 	snop  }
0x90: {  	s2 =	sld [smem:$0x3FD0];
	(tm) =	ssettm $0x1  }
0x91: {  	s18 =	sld [smem:$0x3FFB];
	_ =	sdelay $0x3  }
0x92: {  	_ =	strace s18  }
0x93: {  	s3 =	sld [smem:$0x3FFC];
	_ =	sdelay $0x3  }
0x94: {  	_ =	strace s3  }
0x95: {  	s3 =	sld [smem:$0x3FFD];
	_ =	sdelay $0x3  }
0x96: {  	_ =	strace s3  }
0x97: {  	_ =	strace $0x8FFFFFFF  }
0x98: {  	s19 =	sld [smem:$0x3FDB];
	_ =	sdelay $0x1  }
0x99: {  	s4 =	simm.s32 $_scs_section_size  }
0x9a: {  	s5 =	simm.s32 $_size__tile_overlayer_lowered;
	s6 =	simm.s32 $_tile_overlayer_lowered  }
0x9b: {  	s22 =	simm.s32 $0x1BFF;
	s21 =	sshll.u32 s6, $0x1;
	s3 =	sadd.s32 s4, s19  }
0x9c: {  	s7 =	simm.s32 $0x0;
	s20 =	sshll.u32 s5, $0x1;
	s5 =	sadd.s32 s21, s3  }
0x9d: {  	[timem:s7], [sflag:s22] =	dma.local [hbm:s5], s20  }
0x9e: {  	_ =	swait.ge [sflag:s22], s20  }
0x9f: {  	s4 =	ssub.s32 $0x0, s20;
	[sflag:s22] =	ssyncset.done $0x0  }
0xa0: {  	[sflag:s22] =	ssyncadd.s32 s4;
	_ =	sdelay $0x1  }
0xa1: {  	s23 =	simm.s32 $0x1B8B  }
0xa2: {  	_ =	swait.ge [sflag:s23], $0x1  }
0xa3: {  	[sflag:s23] =	ssyncset.done $0x0  }
0xa4: {  	s25 =	simm.s32 $0x1B8E;
	s24 =	sld [smem:$0x3FFE];
	[sflag:s23] =	ssyncadd.s32 $0xFFFFFFFF  }
0xa5: {  	s26 =	simm.s32 $execute0_lowered;
	[smem:$0x3FD2] =	sst s25  }
0xa6: {  	s5 =	sshll.u32 s26, $0x1;
	_ =	strace $0x80000046;
	[dreg:$0x1] =	wrdreg $0xFFFFFFFF  }
0xa7: {  	s28 =	simm.s32 $_size_execute0_lowered;
	s3 =	sadd.s32 s3, s5;
	[dreg:$0x0] =	wrdreg $0x0  }
0xa8: {  	s5 =	sshll.u32 s28, $0x1;
	[dreg:$0x2] =	wrdreg s3  }
0xa9: {  	[dreg:$0x3] =	wrdreg s5  }
0xaa: {  	[dreg:$0x4] =	wrdreg $0xC0  }
0xab: {  	_ =	task [dreg:s7], $0x5FFFF  }
0xac: {  	[dreg:$0x1] =	wrdreg $0xFFFFFFFF  }
0xad: {  	[dreg:$0x0] =	wrdreg $0x60  }
0xae: {  	[dreg:$0x2] =	wrdreg s24  }
0xaf: {  	[dreg:$0x3] =	wrdreg s2  }
0xb0: {  	[dreg:$0x4] =	wrdreg $0x9  }
0xb1: {  	_ =	task.clear_ibuf [dreg:s7], $0x5FFFF;
	_ =	strace $0x90000046  }
0xb2: {  	s29 =	simm.s32 $0x9;
	_ =	strace $0x80000048  }
0xb3: {  	_ =	swait.ge [sflag:s29], $0x1  }
0xb4: {  	[sflag:s29] =	ssyncadd.s32 $0xFFFFFFFF  }
0xb5: {  	_ =	strace $0x90000048  }
0xb6: {  	_ =	sfence  }
0xb7: {  	s30 =	sld [smem:$0x0];
	_ =	sdelay $0x2  }
0xb8: {  	s31 =	sshll.u32 s1, $0xD;
	s1 =	sshrl.u32 s1, $0x2  }
0xb9: {  	s3 =	sand.u32 $0x4000, s31;
	s1 =	sadd.s32 s1, s30  }
0xba: {  	s0 =	sor.u32 s3, s0;
	s1 =	sshll.u32 s1, $0x11  }
0xbb: {  	s0 =	sor.u32 s1, s0  }
0xbc: {  	s0 =	sadd.s32 $0x8F2B, s0  }
0xbd: {  	[sflag:s0] =	ssyncadd.remote.s32 $0x1  }
0xbe: {  	_ =	sfence.sel $0xFFFF  }
0xbf: {  	[dreg:$0x0] =	wrdreg $0xFFFFFFFF;
	(pc) =	sbr.abs _section_cstart, $3  }
0xc0: {  	[dreg:$0x1] =	wrdreg $0xFFFFFFFF  }
0xc1: {  	_ =	task.clear_ibuf [dreg:s7], $0x2FFFF;
	_ =	strace $0x9FFFFFFF  }
0xc2: {  	(tm) =	ssettm $0x7FFFFFFF  }
0xc3: {  	_ =	shalt  }
tec
execute0_lowered:
.L_overlay_start_1:
0x0: {  	(tag) =	ssettag $0x1  }
0x1: {  	s3 =	rddreg [dreg:$0x0]  }
0x2: {  	s7 =	rddreg [dreg:$0x1]  }
0x3: {  	s0 =	rddreg [dreg:$0x2]  }
0x4: {  	s2 =	srdreg.scid;
	s1 =	stileid.u32  }
0x5: {  	s11 =	simm.s32 $0x600;
	s12 =	simm.s32 $0x4600;
	s13 =	simm.s32 $0x8600  }
0x6: {  	s14 =	simm.s32 $0x1;
	s15 =	simm.s32 $0x18680;
	s16 =	simm.s32 $0x8680  }
0x7: {  	s17 =	simm.s32 $0x2;
	s18 =	simm.s32 $0x0;
	s4 =	sand.u32 $0x1, s2  }
0x8: {  	s5 =	sshrl.u32 s1, $0x2;
	s28 =	sshll.u32 s1, $0x8;
	s2 =	simm.s32 $0x0  }
0x9: {  	s6 =	sshll.u32 s4, $0x7;
	s8 =	sand.u32 $0x300, s28;
	s9 =	smul.u32 $0x3000, s5  }
0xa: {  	s29 =	sshll.u32 s5, $0x11;
	[smem:$0x7FF] =	sst s2;
	s4 =	ssub.s32 $0x2, s4  }
0xb: {  	s5 =	sshll.u32 s5, $0x12;
	s6 =	sor.u32 s6, s8;
	_ =	strace $0x80000047  }
0xc: {  	s10 =	sshrl.u32 s4, $0x1;
	s9 =	sor.u32 s9, s6;
	s8 =	sor.u32 s29, s6  }
0xd: {  	s10 =	ssub.s32 s4, s10;
	s30 =	sor.u32 s5, s6;
	s9 =	sshrl.u32 s9, $0x3  }
0xe: {  	v0 =	vlaneseq.u32;
	s8 =	sshrl.u32 s8, $0x3;
	s31 =	sshrl.u32 s30, $0x3;
	s9 =	sadd.s32 s9, s3  }
0xf: {  	v1 =	vmul.u32 $0x3, v0;
	s8 =	sadd.s32 s8, s3;
	s3 =	sadd.s32 $0x22400, s3;
	s7 =	sadd.s32 s7, s31  }
0x10: {  	s4 =	sadd.s32 $0x20C00, s9;
	s5 =	sadd.s32 $0xC00, s8;
	s6 =	sadd.s32 $0x10C00, s8  }
0x11: {  	v2 =	vimm.f32 $0.0e+00;
	v3 =	vadd.s32 $0x1, v1;
	v4 =	vadd.s32 $0x2, v1;
	s8 =	smax.u32 s10, $0x1;
	s9 =	simm.s32 $0x80;
	s10 =	simm.s32 $0x400  }
.LBB2_1:
0x12: {  	[tilespmem:s2], [sflag:$0x1] =	stream.strided.gather [hbm4b:s4+s9], $0x600, s10, s9, $0x38;
	[tilespmem:$0x18700] =	vst v63  }
0x13: {  	_ = 	snop  }
0x14: {  	[tilespmem:s11], [sflag:$0x1] =	stream.strided.gather [hbm4b:s5+s9], $0x4000, s10, s9, $0x38;
	[tilespmem:$0x18700] =	vst v63  }
0x15: {  	_ = 	snop  }
0x16: {  	[tilespmem:s12], [sflag:$0x1] =	stream.strided.gather [hbm4b:s6+s9], $0x4000, s10, s9, $0x38;
	[tilespmem:$0x18700] =	vst v63  }
0x17: {  	s19 =	simm.s32 $0x86C0  }
0x18: {  	[tilespmem:s13], [sflag:$0x1] =	stream.linear.gather [hbm4b:s3+s2], $0x80, $0x38;
	[tilespmem:$0x18700] =	vst v63  }
0x19: {  	[tilespmem:s19+$0xFFFFFFC0] =	vst v2  }
0x1a: {  	[tilespmem:s19+$0x30] =	vst v2  }
0x1b: {  	[tilespmem:s19+$0x20] =	vst v2  }
0x1c: {  	[tilespmem:s19+$0x10] =	vst v2  }
0x1d: {  	[tilespmem:s19+$0x0] =	vst v2  }
0x1e: {  	[tilespmem:s19+$0xFFFFFFF0] =	vst v2  }
0x1f: {  	s20 =	simm.s32 $0x0;
	[tilespmem:s19+$0xFFFFFFE0] =	vst v2  }
.LBB2_2:
0x20: {  	s20 =	sadd.s32 $0x8, s20;
	[tilespmem:s19+$0xFFFFFFD0] =	vst v2;
	s19 =	sadd.s32 $0x80, s19  }
0x21: {  	[tilespmem:s19+$0xFFFFFFC0] =	vst v2;
	p0 =	slt.u32 s20, $0x7F8  }
0x22: {  	[tilespmem:s19+$0x30] =	vst v2  }
.Ltmp0:
0x23: {  	[tilespmem:s19+$0x20] =	vst v2;
	(pc) =	sbr.rel @p0 .LBB2_2-.Ltmp0, $4  }
0x24: {  	[tilespmem:s19+$0x10] =	vst v2  }
0x25: {  	[tilespmem:s19+$0x0] =	vst v2  }
0x26: {  	[tilespmem:s19+$0xFFFFFFF0] =	vst v2  }
0x27: {  	[tilespmem:s19+$0xFFFFFFE0] =	vst v2  }
0x28: {  	[tilespmem:s19+$0xFFFFFFD0] =	vst v2  }
0x29: {  	_ =	swait.ge [sflag:s14], $0x600  }
0x2a: {  	[sflag:s14] =	ssyncset.done $0x0  }
0x2b: {  	[sflag:s14] =	ssyncadd.s32 $0xFFFFFA00  }
0x2c: {  	_ =	swait.ge [sflag:s14], $0x4000  }
0x2d: {  	[sflag:s14] =	ssyncset.done $0x0  }
0x2e: {  	[sflag:s14] =	ssyncadd.s32 $0xFFFFC000  }
0x2f: {  	_ =	swait.ge [sflag:s14], $0x4000  }
0x30: {  	[sflag:s14] =	ssyncset.done $0x0  }
0x31: {  	[sflag:s14] =	ssyncadd.s32 $0xFFFFC000  }
0x32: {  	_ =	swait.ge [sflag:s14], $0x80  }
0x33: {  	[sflag:s14] =	ssyncset.done $0x0  }
0x34: {  	[sflag:s14] =	ssyncadd.s32 $0xFFFFFF80  }
0x35: {  	v5 =	vld.idx.msk [tilespmem:v1+s13+$0x0], $0xffff;
	_ =	sdelay $0x4  }
0x36: {  	(erf) = vrcp.f32 v5;
	_ =	sdelay $0x3  }
0x37: {  	v6 =	vld.idx.msk [tilespmem:v4+s13+$0x0], $0xffff  }
0x38: {  	v7 =	vld.idx.msk [tilespmem:v3+s13+$0x0], $0xffff;
	_ =	sdelay $0x3  }
0x39: {  	[tilespmem:$0x18680] =	vst v5;
	v5 =	vsub.f32 $0.0e+00, v6;
	v6 =	vpop (erf)  }
0x3a: {  	[tilespmem:$0x18690] =	vst v7;
	v6 =	vmul.f32 $3.141592740e+00, v6  }
0x3b: {  	s19 =	simm.s32 $0x0;
	[tilespmem:$0x186A0] =	vst v5  }
0x3c: {  	s20 =	simm.s32 $0x146A0;
	s21 =	simm.s32 $0x106A0;
	s22 =	simm.s32 $0x0;
	[tilespmem:$0x186B0] =	vst v6  }
.LBB2_4:
0x3d: {  	s23 =	sshll.u32 s22, $0x4  }
0x3e: {  	v5 =	vor.u32 s23, v0  }
0x3f: {  	v9 =	vshll.u32 v5, $0x5  }
0x40: {  	s28 =	simm.s32 $0x1;
	v12 =	vor.u32 s19, v9  }
0x41: {  	s29 =	simm.s32 $0x2;
	v13 =	vor.u32 s28, v9  }
0x42: {  	s30 =	simm.s32 $0x3;
	v14 =	vor.u32 s29, v9  }
0x43: {  	v10 =	vor.u32 s30, v9;
	_ =	sdelay $0x1  }
0x44: {  	v7 =	vmul.u32 $0x3, v5;
	v6 =	vld.idx.msk [tilespmem:v12+s11+$0x0], $0xffff  }
0x45: {  	v8 =	vld.idx.msk [tilespmem:v13+s11+$0x0], $0xffff  }
0x46: {  	v11 =	vadd.s32 $0x1, v7;
	v15 =	vld.idx.msk [tilespmem:v14+s11+$0x0], $0xffff  }
0x47: {  	v20 =	vld.idx.msk [tilespmem:v10+s11+$0x0], $0xffff;
	_ =	sdelay $0x1  }
0x48: {  	v16 =	vadd.s32 $0x2, v7;
	v17 =	vmul.u32 $0x3, v6  }
0x49: {  	v6 =	vld.idx.msk [tilespmem:v7+s19+$0x0], $0xffff;
	v19 =	vmul.u32 $0x3, v8  }
0x4a: {  	v7 =	vld.idx.msk [tilespmem:v11+s19+$0x0], $0xffff;
	v11 =	vmul.u32 $0x3, v15  }
0x4b: {  	v20 =	vmul.u32 $0x3, v20  }
0x4c: {  	v12 =	vld.idx.msk [tilespmem:v12+s12+$0x0], $0xffff  }
0x4d: {  	v8 =	vld.idx.msk [tilespmem:v16+s19+$0x0], $0xffff;
	v18 =	vadd.s32 $0x2, v17  }
0x4e: {  	v21 =	vadd.s32 $0x1, v17;
	v16 =	vld.idx.msk [tilespmem:v17+s2+$0x0], $0xffff  }
0x4f: {  	v15 =	vadd.s32 $0x2, v19;
	v22 =	vadd.s32 $0x1, v19;
	v19 =	vld.idx.msk [tilespmem:v19+s2+$0x0], $0xffff  }
0x50: {  	v24 =	vadd.s32 $0x1, v20;
	v23 =	vld.idx.msk [tilespmem:v11+s2+$0x0], $0xffff  }
0x51: {  	v25 =	vadd.s32 $0x2, v20;
	v20 =	vld.idx.msk [tilespmem:v20+s2+$0x0], $0xffff  }
0x52: {  	v18 =	vld.idx.msk [tilespmem:v18+s2+$0x0], $0xffff  }
0x53: {  	v17 =	vadd.s32 $0x2, v11;
	v11 =	vadd.s32 $0x1, v11;
	v21 =	vld.idx.msk [tilespmem:v21+s2+$0x0], $0xffff  }
0x54: {  	v22 =	vld.idx.msk [tilespmem:v22+s2+$0x0], $0xffff  }
0x55: {  	v24 =	vld.idx.msk [tilespmem:v24+s2+$0x0], $0xffff  }
0x56: {  	v5 =	vshll.u32 v5, $0x6;
	v15 =	vld.idx.msk [tilespmem:v15+s2+$0x0], $0xffff;
	v16 =	vsub.f32 v16, v6;
	v19 =	vsub.f32 v19, v6  }
0x57: {  	v5 =	vadd.s32 $0xFFFFFFFF, v5;
	v25 =	vld.idx.msk [tilespmem:v25+s2+$0x0], $0xffff;
	v23 =	vsub.f32 v23, v6;
	v20 =	vsub.f32 v20, v6  }
0x58: {  	v34 =	vadd.s32 $0xFFFFFFFF, v12;
	v11 =	vld.idx.msk [tilespmem:v11+s2+$0x0], $0xffff;
	v21 =	vsub.f32 v21, v7;
	v18 =	vsub.f32 v18, v8  }
0x59: {  	v22 =	vsub.f32 v22, v7;
	v16 =	vmul.f32 v16, v16;
	v19 =	vmul.f32 v19, v19  }
0x5a: {  	v17 =	vld.idx.msk [tilespmem:v17+s2+$0x0], $0xffff;
	v24 =	vsub.f32 v24, v7;
	v23 =	vmul.f32 v23, v23;
	v20 =	vmul.f32 v20, v20  }
0x5b: {  	v15 =	vsub.f32 v15, v8;
	v21 =	vmul.f32 v21, v21;
	v18 =	vmul.f32 v18, v18  }
0x5c: {  	v25 =	vsub.f32 v25, v8;
	v22 =	vmul.f32 v22, v22;
	v24 =	vmul.f32 v24, v24  }
0x5d: {  	v15 =	vmul.f32 v15, v15;
	v11 =	vsub.f32 v11, v7;
	v16 =	vadd.f32 v21, v16  }
0x5e: {  	v19 =	vadd.f32 v22, v19;
	v20 =	vadd.f32 v24, v20;
	v21 =	vmul.f32 v25, v25  }
0x5f: {  	v17 =	vsub.f32 v17, v8;
	v11 =	vmul.f32 v11, v11;
	v22 =	vadd.f32 v18, v16  }
0x60: {  	s31 =	simm.s32 $0x4;
	v12 =	vadd.s32 v5, v12;
	v15 =	vadd.f32 v15, v19;
	v19 =	vadd.f32 v21, v20  }
0x61: {  	v17 =	vmul.f32 v17, v17;
	v16 =	vadd.f32 v11, v23;
	v11 =	vor.u32 s31, v9  }
0x62: {  	v18 =	vshra.s32 v15, $0x1;
	v20 =	vshra.s32 v19, $0x1;
	v21 =	vmul.f32 $5.000000000e-01, v19  }
0x63: {  	v13 =	vld.idx.msk [tilespmem:v13+s12+$0x0], $0xffff;
	v23 =	vmul.f32 $5.000000000e-01, v15;
	v20 =	vsub.s32 $0x5F3759DF, v20;
	v17 =	vadd.f32 v17, v16  }
0x64: {  	v27 =	vmul.f32 $5.000000000e-01, v22;
	v25 =	vsub.s32 $0x5F3759DF, v18;
	v18 =	vmul.f32 v20, v21  }
0x65: {  	v28 =	vmul.f32 v25, v23;
	v24 =	vshra.s32 v17, $0x1;
	v26 =	vmul.f32 $5.000000000e-01, v17  }
0x66: {  	v16 =	vshra.s32 v22, $0x1;
	v18 =	vmul.f32 v20, v18;
	v24 =	vsub.s32 $0x5F3759DF, v24  }
0x67: {  	v29 =	vsub.s32 $0x5F3759DF, v16;
	v28 =	vmul.f32 v25, v28;
	v31 =	vld.idx.msk [tilespmem:v11+s11+$0x0], $0xffff;
	v16 =	vmul.f32 v24, v26  }
0x68: {  	v35 =	vadd.s32 $0xFFFFFFFF, v13;
	v30 =	vmul.f32 v29, v27;
	v33 =	vsub.f32 $1.500000000e+00, v18  }
0x69: {  	s25 =	simm.s32 $0x6;
	v14 =	vld.idx.msk [tilespmem:v14+s12+$0x0], $0xffff;
	v37 =	vadd.s32 v5, v13;
	v28 =	vsub.f32 $1.500000000e+00, v28;
	v32 =	vmul.f32 v24, v16  }
0x6a: {  	s24 =	simm.s32 $0x5;
	v30 =	vmul.f32 v29, v30;
	v18 =	vor.u32 s25, v9;
	v20 =	vmul.f32 v20, v33  }
0x6b: {  	v16 =	vor.u32 s24, v9;
	v25 =	vmul.f32 v25, v28;
	v32 =	vsub.f32 $1.500000000e+00, v32  }
0x6c: {  	s26 =	simm.s32 $0x7;
	v30 =	vsub.f32 $1.500000000e+00, v30;
	v28 =	vmul.u32 $0x3, v31;
	v31 =	vmul.f32 v20, v21  }
0x6d: {  	v13 =	vor.u32 s26, v9;
	v60 =	vmul.f32 v25, v23;
	v24 =	vmul.f32 v24, v32  }
0x6e: {  	v38 =	vadd.s32 $0xFFFFFFFF, v14;
	v29 =	vmul.f32 v29, v30;
	v31 =	vmul.f32 v31, v20  }
0x6f: {  	v14 =	vadd.s32 v5, v14;
	v62 =	vld.idx.msk [tilespmem:v18+s11+$0x0], $0xffff;
	v32 =	vmul.f32 v60, v25;
	v61 =	vmul.f32 v24, v26  }
0x70: {  	vm0 =	vlt.u32 v34, $0x4;
	v36 =	vmul.f32 v29, v27;
	v30 =	vld.idx.msk [tilespmem:v16+s11+$0x0], $0xffff;
	v31 =	vsub.f32 $1.500000000e+00, v31  }
0x71: {  	vm1 =	vlt.u32 v35, $0x4;
	v32 =	vsub.f32 $1.500000000e+00, v32;
	v33 =	vmul.f32 v61, v24  }
0x72: {  	vm3 =	vgt.s32 v37, $0x0;
	v36 =	vmul.f32 v36, v29;
	v20 =	vmul.f32 v31, v20  }
0x73: {  	v44 =	vadd.s32 $0x1, v28;
	v25 =	vmul.f32 v32, v25;
	v33 =	vsub.f32 $1.500000000e+00, v33  }
0x74: {  	v31 =	vsub.f32 $1.500000000e+00, v36;
	v34 =	vmul.u32 $0x3, v62;
	v21 =	vmul.f32 v20, v21  }
0x75: {  	v30 =	vmul.u32 $0x3, v30;
	v23 =	vmul.f32 v25, v23;
	v24 =	vmul.f32 v33, v24  }
0x76: {  	v63 =	vld.idx.msk [tilespmem:v13+s11+$0x0], $0xffff;
	v29 =	vmul.f32 v31, v29;
	v31 =	vadd.s32 $0x2, v28;
	v21 =	vmul.f32 v21, v20  }
0x77: {  	v10 =	vld.idx.msk [tilespmem:v10+s12+$0x0], $0xffff;
	v50 =	vnsel vm3, $0x0, v37;
	v23 =	vmul.f32 v23, v25;
	v26 =	vmul.f32 v24, v26  }
0x78: {  	v46 =	vadd.s32 $0x2, v34;
	v40 =	vadd.s32 $0x1, v34;
	v21 =	vsub.f32 $1.500000000e+00, v21  }
0x79: {  	v47 =	vld.idx.msk [tilespmem:v44+s2+$0x0], $0xffff;
	v45 =	vadd.s32 $0x2, v30;
	v23 =	vsub.f32 $1.500000000e+00, v23;
	v26 =	vmul.f32 v26, v24  }
0x7a: {  	v28 =	vld.idx.msk [tilespmem:v28+s2+$0x0], $0xffff;
	v27 =	vmul.f32 v29, v27;
	v39 =	vadd.s32 $0x1, v30;
	v20 =	vmul.f32 v21, v20  }
0x7b: {  	v31 =	vld.idx.msk [tilespmem:v31+s2+$0x0], $0xffff;
	v21 =	vmul.u32 $0x3, v63;
	v23 =	vmul.f32 v23, v25;
	v26 =	vsub.f32 $1.500000000e+00, v26  }
0x7c: {  	v27 =	vmul.f32 v27, v29;
	v25 =	vld.idx.msk [tilespmem:v30+s2+$0x0], $0xffff;
	v19 =	vmul.f32 v20, v19;
	v20 =	vadd.s32 $0xFFFFFFFF, v10  }
0x7d: {  	v15 =	vmul.f32 v23, v15;
	v23 =	vld.idx.msk [tilespmem:v46+s2+$0x0], $0xffff;
	v24 =	vmul.f32 v26, v24;
	v26 =	vadd.s32 $0x1, v21  }
0x7e: {  	v27 =	vsub.f32 $1.500000000e+00, v27;
	v10 =	vadd.s32 v5, v10;
	vm2 =	vlt.u32 v20, $0x4;
	v20 =	vld.idx.msk [tilespmem:v45+s2+$0x0], $0xffff  }
0x7f: {  	v30 =	vld.idx.msk [tilespmem:v34+s2+$0x0], $0xffff;
	v48 =	vnsel vm2, $0x5D5E0B6B, v19;
	vm2 =	vgt.s32 v10, $0x0;
	v19 =	vadd.s32 $0x2, v21  }
0x80: {  	v49 =	vnsel vm2, $0x0, v10;
	v10 =	vmul.f32 v27, v29;
	v27 =	vld.idx.msk [tilespmem:v39+s2+$0x0], $0xffff;
	v29 =	vnsel vm1, $0x5D5E0B6B, v15  }
0x81: {  	vm2 =	vgt.s32 v14, $0x0;
	v15 =	vmul.f32 v24, v17;
	v17 =	vld.idx.msk [tilespmem:v21+s2+$0x0], $0xffff;
	v24 =	vsub.f32 v47, v7  }
0x82: {  	vm1 =	vlt.u32 v38, $0x4;
	v51 =	vnsel vm2, $0x0, v14;
	v10 =	vmul.f32 v10, v22;
	v21 =	vld.idx.msk [tilespmem:v26+s2+$0x0], $0xffff  }
0x83: {  	v22 =	vld.idx.msk [tilespmem:v40+s2+$0x0], $0xffff;
	v23 =	vsub.f32 v23, v8;
	v20 =	vsub.f32 v20, v8;
	v24 =	vmul.f32 v24, v24  }
0x84: {  	v26 =	vnsel vm1, $0x5D5E0B6B, v15;
	v15 =	vsub.f32 v28, v6;
	v28 =	vsub.f32 v31, v8;
	v14 =	vld.idx.msk [tilespmem:v19+s2+$0x0], $0xffff  }
0x85: {  	vm1 =	vgt.s32 v12, $0x0;
	v19 =	vsub.f32 v25, v6;
	v25 =	vsub.f32 v30, v6  }
0x86: {  	v27 =	vsub.f32 v27, v7;
	v20 =	vmul.f32 v20, v20;
	v15 =	vmul.f32 v15, v15  }
0x87: {  	v28 =	vmul.f32 v28, v28;
	v17 =	vsub.f32 v17, v6;
	v21 =	vsub.f32 v21, v7  }
0x88: {  	v19 =	vmul.f32 v19, v19;
	v27 =	vmul.f32 v27, v27;
	v22 =	vsub.f32 v22, v7  }
0x89: {  	v17 =	vmul.f32 v17, v17;
	v14 =	vsub.f32 v14, v8;
	v21 =	vmul.f32 v21, v21  }
0x8a: {  	v25 =	vmul.f32 v25, v25;
	v15 =	vadd.f32 v24, v15;
	v22 =	vmul.f32 v22, v22  }
0x8b: {  	v19 =	vadd.f32 v27, v19;
	v24 =	vmul.f32 v14, v14;
	v21 =	vadd.f32 v21, v17  }
0x8c: {  	v14 =	vadd.f32 v28, v15;
	v15 =	vadd.f32 v22, v25;
	v22 =	vmul.f32 v23, v23  }
0x8d: {  	s28 =	simm.s32 $0x8;
	v28 =	vnsel vm0, $0x5D5E0B6B, v10;
	v17 =	vadd.f32 v20, v19;
	v19 =	vadd.f32 v24, v21  }
0x8e: {  	v10 =	vor.u32 s28, v9;
	v20 =	vshra.s32 v14, $0x1;
	v15 =	vadd.f32 v22, v15  }
0x8f: {  	v21 =	vshra.s32 v17, $0x1;
	v22 =	vshra.s32 v19, $0x1;
	v25 =	vmul.f32 $5.000000000e-01, v19  }
0x90: {  	v23 =	vmul.f32 $5.000000000e-01, v17;
	v27 =	vshra.s32 v15, $0x1;
	v30 =	vsub.s32 $0x5F3759DF, v22  }
0x91: {  	v24 =	vmul.f32 $5.000000000e-01, v15;
	v21 =	vsub.s32 $0x5F3759DF, v21;
	v31 =	vmul.f32 v30, v25  }
0x92: {  	v52 =	vld.idx.msk [tilespmem:v11+s12+$0x0], $0xffff;
	v27 =	vsub.s32 $0x5F3759DF, v27;
	v11 =	vmul.f32 v21, v23;
	v22 =	vmul.f32 $5.000000000e-01, v14  }
0x93: {  	v20 =	vsub.s32 $0x5F3759DF, v20;
	v53 =	vmul.f32 v27, v24;
	v31 =	vmul.f32 v30, v31  }
0x94: {  	s29 =	simm.s32 $0x9;
	v58 =	vld.idx.msk [tilespmem:v16+s12+$0x0], $0xffff;
	v54 =	vnsel vm1, $0x0, v12;
	v41 =	vmul.f32 v21, v11;
	v56 =	vmul.f32 v20, v22  }
0x95: {  	s30 =	simm.s32 $0xA;
	[tilespmem:s21+$0x10] =	vst v48;
	v12 =	vor.u32 s29, v9;
	v55 =	vld.idx.msk [tilespmem:v10+s11+$0x0], $0xffff;
	v57 =	vmul.f32 v27, v53;
	v31 =	vsub.f32 $1.500000000e+00, v31  }
0x96: {  	[tilespmem:s20+$0x10] =	vst v49;
	v11 =	vor.u32 s30, v9;
	v59 =	vsub.f32 $1.500000000e+00, v41;
	v16 =	vmul.f32 v20, v56  }
0x97: {  	v60 =	vadd.s32 $0xFFFFFFFF, v52;
	[tilespmem:s21+$0xFFFFFFF0] =	vst v29;
	v33 =	vsub.f32 $1.500000000e+00, v57;
	v29 =	vmul.f32 v30, v31  }
0x98: {  	[tilespmem:s20+$0xFFFFFFF0] =	vst v50;
	vm0 =	vlt.u32 v60, $0x4;
	v61 =	vsub.f32 $1.500000000e+00, v16;
	v30 =	vmul.f32 v21, v59  }
0x99: {  	v18 =	vld.idx.msk [tilespmem:v18+s12+$0x0], $0xffff;
	[tilespmem:s21+$0xFFFFFFE0] =	vst v28;
	v28 =	vadd.s32 $0xFFFFFFFF, v58;
	v31 =	vmul.f32 v27, v33;
	v21 =	vmul.f32 v29, v25  }
0x9a: {  	[tilespmem:s21+$0x0] =	vst v26;
	v32 =	vld.idx.msk [tilespmem:v12+s11+$0x0], $0xffff;
	v26 =	vmul.u32 $0x3, v55;
	v27 =	vmul.f32 v20, v61;
	v20 =	vmul.f32 v30, v23  }
0x9b: {  	v16 =	vadd.s32 v5, v52;
	v33 =	vld.idx.msk [tilespmem:v11+s11+$0x0], $0xffff;
	v62 =	vmul.f32 v31, v24;
	v63 =	vmul.f32 v21, v29  }
0x9c: {  	s31 =	simm.s32 $0xB;
	[tilespmem:s20+$0x0] =	vst v51;
	v34 =	vmul.f32 v27, v22;
	v35 =	vmul.f32 v20, v30;
	v20 =	vadd.s32 v5, v58  }
0x9d: {  	s23 =	smov.u32 s20;
	s25 =	simm.s32 $0xC;
	s24 =	smov.u32 s21;
	[tilespmem:s20+$0xFFFFFFE0] =	vst v54;
	v21 =	vor.u32 s31, v9;
	v36 =	vmul.f32 v62, v31;
	v37 =	vsub.f32 $1.500000000e+00, v63  }
.LBB2_5:
0x9e: {  	p0 =	slt.u32 s25, $0x1C;
	v34 =	vmul.f32 v34, v27;
	v35 =	vsub.f32 $1.500000000e+00, v35;
	v38 =	vadd.s32 $0xFFFFFFFF, v18  }
0x9f: {  	v32 =	vmul.u32 $0x3, v32;
	v36 =	vsub.f32 $1.500000000e+00, v36;
	v29 =	vmul.f32 v37, v29  }
0xa0: {  	v33 =	vmul.u32 $0x3, v33;
	v34 =	vsub.f32 $1.500000000e+00, v34;
	v30 =	vmul.f32 v35, v30  }
0xa1: {  	vm1 =	vlt.u32 v28, $0x4;
	v28 =	vmul.f32 v36, v31;
	v25 =	vmul.f32 v29, v25  }
0xa2: {  	v31 =	vadd.s32 $0x2, v26;
	v35 =	vld.idx.msk [tilespmem:v21+s11+$0x0], $0xffff;
	v27 =	vmul.f32 v34, v27;
	v23 =	vmul.f32 v30, v23  }
0xa3: {  	v34 =	vadd.s32 $0x1, v26;
	v24 =	vmul.f32 v28, v24;
	v36 =	vld.idx.msk [tilespmem:v13+s12+$0x0], $0xffff;
	v25 =	vmul.f32 v25, v29;
	v13 =	vmovc v21  }
0xa4: {  	v21 =	vadd.s32 $0x2, v32;
	v22 =	vmul.f32 v27, v22;
	v23 =	vmul.f32 v23, v30  }
0xa5: {  	v37 =	vadd.s32 $0x2, v33;
	v24 =	vmul.f32 v24, v28;
	v25 =	vsub.f32 $1.500000000e+00, v25  }
0xa6: {  	v39 =	vadd.s32 $0x1, v32;
	v26 =	vld.idx.msk [tilespmem:v26+s2+$0x0], $0xffff;
	v22 =	vmul.f32 v22, v27;
	v23 =	vsub.f32 $1.500000000e+00, v23  }
0xa7: {  	v40 =	vadd.s32 $0x1, v33;
	v31 =	vld.idx.msk [tilespmem:v31+s2+$0x0], $0xffff;
	v24 =	vsub.f32 $1.500000000e+00, v24;
	v25 =	vmul.f32 v25, v29  }
0xa8: {  	v29 =	vld.idx.msk [tilespmem:v34+s2+$0x0], $0xffff;
	v34 =	vmul.u32 $0x3, v35;
	v22 =	vsub.f32 $1.500000000e+00, v22;
	v23 =	vmul.f32 v23, v30  }
0xa9: {  	v30 =	vld.idx.msk [tilespmem:v32+s2+$0x0], $0xffff;
	v24 =	vmul.f32 v24, v28;
	v19 =	vmul.f32 v25, v19;
	v25 =	vadd.s32 $0xFFFFFFFF, v36  }
0xaa: {  	v28 =	vld.idx.msk [tilespmem:v33+s2+$0x0], $0xffff;
	v32 =	vadd.s32 $0x1, v34;
	vm2 =	vlt.u32 v25, $0x4;
	v25 =	vadd.s32 v5, v36  }
0xab: {  	s24 =	sadd.s32 $0x40, s24;
	v17 =	vmul.f32 v23, v17;
	v21 =	vld.idx.msk [tilespmem:v21+s2+$0x0], $0xffff;
	v19 =	vnsel vm2, $0x5D5E0B6B, v19;
	vm2 =	vgt.s32 v25, $0x0  }
0xac: {  	vm3 =	vgt.s32 v20, $0x0;
	s23 =	sadd.s32 $0x40, s23;
	v33 =	vadd.s32 $0x2, v34;
	v23 =	vld.idx.msk [tilespmem:v37+s2+$0x0], $0xffff;
	[tilespmem:s24+$0x10] =	vst v19;
	v19 =	vnsel vm2, $0x0, v25  }
0xad: {  	v22 =	vmul.f32 v22, v27;
	v15 =	vmul.f32 v24, v15;
	v17 =	vnsel vm1, $0x5D5E0B6B, v17;
	v25 =	vld.idx.msk [tilespmem:v39+s2+$0x0], $0xffff;
	[tilespmem:s23+$0x10] =	vst v19  }
0xae: {  	v18 =	vadd.s32 v5, v18;
	vm1 =	vlt.u32 v38, $0x4;
	v19 =	vld.idx.msk [tilespmem:v34+s2+$0x0], $0xffff;
	[tilespmem:s24+$0xFFFFFFF0] =	vst v17;
	v17 =	vnsel vm3, $0x0, v20  }
0xaf: {  	v14 =	vmul.f32 v22, v14;
	v15 =	vnsel vm1, $0x5D5E0B6B, v15;
	vm1 =	vgt.s32 v18, $0x0;
	v20 =	vld.idx.msk [tilespmem:v32+s2+$0x0], $0xffff;
	[tilespmem:s23+$0xFFFFFFF0] =	vst v17  }
0xb0: {  	vm2 =	vgt.s32 v16, $0x0;
	v17 =	vsub.f32 v26, v6;
	v22 =	vld.idx.msk [tilespmem:v40+s2+$0x0], $0xffff;
	[tilespmem:s24+$0x0] =	vst v15;
	v15 =	vnsel vm1, $0x0, v18  }
0xb1: {  	v24 =	vsub.f32 v31, v8;
	v14 =	vnsel vm0, $0x5D5E0B6B, v14;
	v18 =	vsub.f32 v29, v7;
	v26 =	vld.idx.msk [tilespmem:v33+s2+$0x0], $0xffff;
	[tilespmem:s23+$0x0] =	vst v15  }
0xb2: {  	v27 =	vsub.f32 v28, v6;
	v15 =	vsub.f32 v30, v6;
	[tilespmem:s24+$0xFFFFFFE0] =	vst v14;
	v14 =	vnsel vm2, $0x0, v16  }
0xb3: {  	v16 =	vmul.f32 v17, v17;
	v17 =	vsub.f32 v21, v8;
	v21 =	vsub.f32 v23, v8;
	[tilespmem:s23+$0xFFFFFFE0] =	vst v14  }
0xb4: {  	v23 =	vsub.f32 v25, v7;
	v14 =	vmul.f32 v18, v18;
	v18 =	vmul.f32 v24, v24  }
0xb5: {  	v15 =	vmul.f32 v15, v15;
	v19 =	vsub.f32 v19, v6;
	v20 =	vsub.f32 v20, v7  }
0xb6: {  	v24 =	vmul.f32 v27, v27;
	v23 =	vmul.f32 v23, v23;
	v22 =	vsub.f32 v22, v7  }
0xb7: {  	v19 =	vmul.f32 v19, v19;
	v25 =	vsub.f32 v26, v8;
	v20 =	vmul.f32 v20, v20  }
0xb8: {  	v14 =	vadd.f32 v14, v16;
	v16 =	vmul.f32 v17, v17;
	v17 =	vmul.f32 v22, v22  }
0xb9: {  	v15 =	vadd.f32 v23, v15;
	v19 =	vadd.f32 v20, v19;
	v20 =	vmul.f32 v25, v25  }
0xba: {  	v21 =	vmul.f32 v21, v21;
	v14 =	vadd.f32 v18, v14;
	v18 =	vadd.f32 v17, v24  }
0xbb: {  	v17 =	vadd.f32 v16, v15;
	v19 =	vadd.f32 v20, v19  }
0xbc: {  	v16 =	vor.u32 s25, v9;
	v20 =	vshra.s32 v14, $0x1;
	v15 =	vadd.f32 v21, v18  }
0xbd: {  	v18 =	vshra.s32 v17, $0x1;
	v21 =	vshra.s32 v19, $0x1;
	v25 =	vmul.f32 $5.000000000e-01, v19  }
0xbe: {  	v23 =	vmul.f32 $5.000000000e-01, v17;
	v26 =	vshra.s32 v15, $0x1;
	v21 =	vsub.s32 $0x5F3759DF, v21  }
0xbf: {  	v18 =	vsub.s32 $0x5F3759DF, v18;
	v24 =	vmul.f32 $5.000000000e-01, v15;
	v28 =	vmul.f32 v21, v25;
	v27 =	vld.idx.msk [tilespmem:v10+s12+$0x0], $0xffff;
	v10 =	vmovc v16  }
0xc0: {  	v22 =	vmul.f32 $5.000000000e-01, v14;
	v29 =	vmul.f32 v18, v23;
	v31 =	vsub.s32 $0x5F3759DF, v26  }
0xc1: {  	s26 =	sadd.s32 $0x1, s25;
	v20 =	vsub.s32 $0x5F3759DF, v20;
	v28 =	vmul.f32 v21, v28;
	v26 =	vld.idx.msk [tilespmem:v16+s11+$0x0], $0xffff;
	v16 =	vmul.f32 v31, v24  }
0xc2: {  	v32 =	vor.u32 s26, v9;
	s26 =	sadd.s32 $0x2, s25;
	v30 =	vmul.f32 v20, v22;
	v29 =	vmul.f32 v18, v29  }
0xc3: {  	v33 =	vor.u32 s26, v9;
	v28 =	vsub.f32 $1.500000000e+00, v28;
	v36 =	vld.idx.msk [tilespmem:v12+s12+$0x0], $0xffff;
	v16 =	vmul.f32 v31, v16;
	v12 =	vmovc v32  }
0xc4: {  	v30 =	vmul.f32 v20, v30;
	v34 =	vsub.f32 $1.500000000e+00, v29  }
0xc5: {  	v35 =	vadd.s32 $0xFFFFFFFF, v27;
	v29 =	vmul.f32 v21, v28;
	v37 =	vsub.f32 $1.500000000e+00, v16  }
0xc6: {  	v21 =	vsub.f32 $1.500000000e+00, v30;
	v30 =	vmul.f32 v18, v34;
	v16 =	vadd.s32 v5, v27;
	v18 =	vld.idx.msk [tilespmem:v11+s12+$0x0], $0xffff;
	v11 =	vmovc v33  }
.Ltmp1:
0xc7: {  	v26 =	vmul.u32 $0x3, v26;
	v34 =	vmul.f32 v29, v25;
	v32 =	vld.idx.msk [tilespmem:v32+s11+$0x0], $0xffff;
	v31 =	vmul.f32 v31, v37;
	(pc) =	sbr.rel @p0 .LBB2_5-.Ltmp1, $4  }
0xc8: {  	vm0 =	vlt.u32 v35, $0x4;
	v27 =	vmul.f32 v20, v21;
	v20 =	vmul.f32 v30, v23;
	v33 =	vld.idx.msk [tilespmem:v33+s11+$0x0], $0xffff  }
0xc9: {  	v28 =	vadd.s32 $0xFFFFFFFF, v36;
	v38 =	vmul.f32 v34, v29;
	v37 =	vmul.f32 v31, v24  }
0xca: {  	s26 =	sadd.s32 $0x3, s25;
	v34 =	vmul.f32 v27, v22;
	v35 =	vmul.f32 v20, v30;
	v20 =	vadd.s32 v5, v36  }
0xcb: {  	s25 =	sadd.s32 $0x4, s25;
	v21 =	vor.u32 s26, v9;
	v36 =	vmul.f32 v37, v31;
	v37 =	vsub.f32 $1.500000000e+00, v38  }
0xcc: {  	_ =	sdelay $0x2  }
0xcd: {  	v9 =	vadd.s32 $0x2, v26  }
0xce: {  	v32 =	vmul.u32 $0x3, v32;
	v38 =	vld.idx.msk [tilespmem:v21+s11+$0x0], $0xffff;
	v39 =	vadd.s32 $0x1, v26;
	v34 =	vmul.f32 v34, v27  }
0xcf: {  	v35 =	vsub.f32 $1.500000000e+00, v35;
	vm1 =	vlt.u32 v28, $0x4;
	vm3 =	vgt.s32 v20, $0x0  }
0xd0: {  	v13 =	vld.idx.msk [tilespmem:v13+s12+$0x0], $0xffff;
	vm7 =	vgt.s32 v16, $0x0;
	v33 =	vmul.u32 $0x3, v33;
	v36 =	vsub.f32 $1.500000000e+00, v36  }
0xd1: {  	v57 =	vld.idx.msk [tilespmem:v26+s2+$0x0], $0xffff;
	v29 =	vmul.f32 v37, v29;
	v20 =	vnsel vm3, $0x0, v20;
	v16 =	vnsel vm7, $0x0, v16  }
0xd2: {  	v34 =	vsub.f32 $1.500000000e+00, v34;
	v30 =	vmul.f32 v35, v30;
	v56 =	vadd.s32 $0x2, v32  }
0xd3: {  	v59 =	vadd.s32 $0x1, v32;
	v31 =	vmul.f32 v36, v31;
	v9 =	vld.idx.msk [tilespmem:v9+s2+$0x0], $0xffff;
	v38 =	vmul.u32 $0x3, v38  }
0xd4: {  	v25 =	vmul.f32 v29, v25;
	v58 =	vadd.s32 $0x2, v33;
	v23 =	vmul.f32 v30, v23;
	v39 =	vld.idx.msk [tilespmem:v39+s2+$0x0], $0xffff  }
0xd5: {  	v27 =	vmul.f32 v34, v27;
	v24 =	vmul.f32 v31, v24;
	v32 =	vld.idx.msk [tilespmem:v32+s2+$0x0], $0xffff;
	v40 =	vadd.s32 $0x1, v38  }
0xd6: {  	v25 =	vmul.f32 v25, v29;
	v63 =	vadd.s32 $0xFFFFFFFF, v13;
	v42 =	vsub.f32 v57, v6;
	v60 =	vld.idx.msk [tilespmem:v33+s2+$0x0], $0xffff  }
0xd7: {  	v23 =	vmul.f32 v23, v30;
	v22 =	vmul.f32 v27, v22;
	v35 =	vld.idx.msk [tilespmem:v56+s2+$0x0], $0xffff;
	v41 =	vadd.s32 $0x2, v38  }
0xd8: {  	v24 =	vmul.f32 v24, v31;
	v33 =	vadd.s32 $0x1, v33;
	v25 =	vsub.f32 $1.500000000e+00, v25;
	v61 =	vld.idx.msk [tilespmem:v59+s2+$0x0], $0xffff  }
0xd9: {  	v13 =	vadd.s32 v5, v13;
	vm2 =	vlt.u32 v63, $0x4;
	v23 =	vsub.f32 $1.500000000e+00, v23;
	v62 =	vld.idx.msk [tilespmem:v38+s2+$0x0], $0xffff  }
0xda: {  	v22 =	vmul.f32 v22, v27;
	v24 =	vsub.f32 $1.500000000e+00, v24;
	v25 =	vmul.f32 v25, v29;
	v40 =	vld.idx.msk [tilespmem:v40+s2+$0x0], $0xffff  }
0xdb: {  	v36 =	vld.idx.msk [tilespmem:v58+s2+$0x0], $0xffff;
	v23 =	vmul.f32 v23, v30;
	v44 =	vsub.f32 v39, v7;
	v9 =	vsub.f32 v9, v8  }
0xdc: {  	v24 =	vmul.f32 v24, v31;
	v19 =	vmul.f32 v25, v19;
	v32 =	vsub.f32 v32, v6;
	v45 =	vld.idx.msk [tilespmem:v41+s2+$0x0], $0xffff  }
0xdd: {  	v25 =	vmul.f32 v42, v42;
	v43 =	vld.idx.msk [tilespmem:v33+s2+$0x0], $0xffff;
	v34 =	vsub.f32 v60, v6;
	v35 =	vsub.f32 v35, v8  }
0xde: {  	v31 =	vmul.f32 v44, v44;
	v9 =	vmul.f32 v9, v9;
	v28 =	vsub.f32 v61, v7  }
0xdf: {  	v52 =	vmul.f32 v23, v17;
	v6 =	vsub.f32 v62, v6;
	v46 =	vsub.f32 v40, v7  }
0xe0: {  	v36 =	vsub.f32 v36, v8;
	v32 =	vmul.f32 v32, v32;
	v28 =	vmul.f32 v28, v28  }
0xe1: {  	v47 =	vsub.f32 v45, v8;
	v6 =	vmul.f32 v6, v6;
	v48 =	vmul.f32 v46, v46  }
0xe2: {  	v50 =	vmul.f32 v35, v35;
	v28 =	vadd.f32 v28, v32;
	v7 =	vsub.f32 v43, v7  }
0xe3: {  	v25 =	vadd.f32 v31, v25;
	v8 =	vmul.f32 v47, v47;
	v6 =	vadd.f32 v48, v6  }
0xe4: {  	v49 =	vmul.f32 v34, v34;
	v17 =	vadd.f32 v50, v28;
	v7 =	vmul.f32 v7, v7  }
0xe5: {  	v51 =	vmul.f32 v36, v36;
	v9 =	vadd.f32 v9, v25;
	v6 =	vadd.f32 v8, v6  }
0xe6: {  	v28 =	vshra.s32 v17, $0x1;
	v56 =	vmul.f32 $5.000000000e-01, v17;
	v7 =	vadd.f32 v7, v49  }
0xe7: {  	v28 =	vsub.s32 $0x5F3759DF, v28;
	v54 =	vshra.s32 v6, $0x1;
	v55 =	vmul.f32 $5.000000000e-01, v6  }
0xe8: {  	v61 =	vmul.f32 v28, v56;
	v7 =	vadd.f32 v51, v7;
	v25 =	vsub.s32 $0x5F3759DF, v54  }
0xe9: {  	v22 =	vsub.f32 $1.500000000e+00, v22;
	v53 =	vshra.s32 v9, $0x1;
	v58 =	vmul.f32 v25, v55  }
0xea: {  	v35 =	vmul.f32 v28, v61;
	v57 =	vmul.f32 $5.000000000e-01, v7;
	v59 =	vshra.s32 v7, $0x1  }
0xeb: {  	v60 =	vmul.f32 $5.000000000e-01, v9;
	v33 =	vsub.s32 $0x5F3759DF, v59;
	v32 =	vmul.f32 v25, v58  }
0xec: {  	v23 =	vsub.s32 $0x5F3759DF, v53;
	v38 =	vsub.f32 $1.500000000e+00, v35;
	v62 =	vmul.f32 v33, v57  }
0xed: {  	v22 =	vmul.f32 v22, v27;
	v63 =	vmul.f32 v23, v60;
	v32 =	vsub.f32 $1.500000000e+00, v32  }
0xee: {  	vm15 =	vgt.s32 v13, $0x0;
	v27 =	vmul.f32 v28, v38;
	v36 =	vmul.f32 v33, v62  }
0xef: {  	v13 =	vnsel vm15, $0x0, v13;
	v37 =	vmul.f32 v23, v63;
	v25 =	vmul.f32 v25, v32  }
0xf0: {  	v29 =	vadd.s32 $0xFFFFFFFF, v18;
	v42 =	vmul.f32 v27, v56;
	v39 =	vsub.f32 $1.500000000e+00, v36  }
0xf1: {  	v15 =	vmul.f32 v24, v15;
	v40 =	vsub.f32 $1.500000000e+00, v37;
	v41 =	vmul.f32 v25, v55  }
0xf2: {  	vm5 =	vlt.u32 v29, $0x4;
	v45 =	vmul.f32 v42, v27;
	v24 =	vmul.f32 v33, v39  }
0xf3: {  	v10 =	vld.idx.msk [tilespmem:v10+s12+$0x0], $0xffff;
	v19 =	vnsel vm2, $0x5D5E0B6B, v19;
	v23 =	vmul.f32 v23, v40;
	v28 =	vmul.f32 v41, v25  }
0xf4: {  	v14 =	vmul.f32 v22, v14;
	v22 =	vsub.f32 $1.500000000e+00, v45;
	v43 =	vmul.f32 v24, v57  }
0xf5: {  	v15 =	vnsel vm5, $0x5D5E0B6B, v15;
	v44 =	vmul.f32 v23, v60;
	v28 =	vsub.f32 $1.500000000e+00, v28  }
0xf6: {  	v14 =	vnsel vm0, $0x5D5E0B6B, v14;
	v22 =	vmul.f32 v22, v27;
	v29 =	vmul.f32 v43, v24  }
0xf7: {  	v12 =	vld.idx.msk [tilespmem:v12+s12+$0x0], $0xffff;
	v46 =	vadd.s32 v5, v18;
	v47 =	vmul.f32 v44, v23;
	v25 =	vmul.f32 v28, v25  }
0xf8: {  	v53 =	vadd.s32 $0xFFFFFFFF, v10;
	v27 =	vmul.f32 v22, v56;
	v48 =	vsub.f32 $1.500000000e+00, v29  }
0xf9: {  	vm6 =	vgt.s32 v46, $0x0;
	v49 =	vsub.f32 $1.500000000e+00, v47;
	v26 =	vmul.f32 v25, v55  }
0xfa: {  	s24 =	sadd.s32 $0x40, s24;
	v18 =	vnsel vm6, $0x0, v46;
	v27 =	vmul.f32 v27, v22;
	v24 =	vmul.f32 v48, v24  }
0xfb: {  	s23 =	sadd.s32 $0x40, s23;
	[tilespmem:s24+$0x10] =	vst v19;
	v8 =	vnsel vm1, $0x5D5E0B6B, v52;
	v51 =	vld.idx.msk [tilespmem:v21+s12+$0x0], $0xffff;
	v23 =	vmul.f32 v49, v23;
	v26 =	vmul.f32 v26, v25  }
0xfc: {  	[tilespmem:s23+$0x10] =	vst v13;
	v54 =	vadd.s32 $0xFFFFFFFF, v12;
	v50 =	vmul.f32 v24, v57;
	v55 =	vsub.f32 $1.500000000e+00, v27  }
0xfd: {  	[tilespmem:s24+$0x0] =	vst v15;
	v12 =	vadd.s32 v5, v12;
	v52 =	vmul.f32 v23, v60;
	v26 =	vsub.f32 $1.500000000e+00, v26  }
0xfe: {  	[tilespmem:s24+$0xFFFFFFE0] =	vst v14;
	vm10 =	vlt.u32 v54, $0x4;
	v19 =	vmul.f32 v50, v24;
	v58 =	vmul.f32 v55, v22  }
0xff: {  	v11 =	vld.idx.msk [tilespmem:v11+s12+$0x0], $0xffff;
	[tilespmem:s23+$0xFFFFFFE0] =	vst v16;
	vm11 =	vgt.s32 v12, $0x0;
	v28 =	vmul.f32 v52, v23;
	v25 =	vmul.f32 v26, v25  }
0x100: {  	[tilespmem:s23+$0x0] =	vst v18;
	v59 =	vadd.s32 $0xFFFFFFFF, v51;
	v19 =	vsub.f32 $1.500000000e+00, v19;
	v62 =	vmul.f32 v58, v17  }
0x101: {  	[tilespmem:s24+$0xFFFFFFF0] =	vst v8;
	v61 =	vadd.s32 v5, v51;
	v57 =	vsub.f32 $1.500000000e+00, v28;
	v6 =	vmul.f32 v25, v6  }
0x102: {  	s24 =	sadd.s32 $0x40, s24;
	[tilespmem:s23+$0xFFFFFFF0] =	vst v20;
	vm8 =	vlt.u32 v59, $0x4;
	v60 =	vmul.f32 v19, v24;
	v16 =	vnsel vm10, $0x5D5E0B6B, v62  }
0x103: {  	vm9 =	vgt.s32 v61, $0x0;
	v63 =	vmul.f32 v57, v23;
	[tilespmem:s24+$0xFFFFFFF0] =	vst v16;
	v6 =	vnsel vm8, $0x5D5E0B6B, v6  }
0x104: {  	s22 =	sadd.s32 $0x1, s22;
	s23 =	sadd.s32 $0x40, s23;
	v56 =	vadd.s32 $0xFFFFFFFF, v11;
	v7 =	vmul.f32 v60, v7;
	[tilespmem:s24+$0x10] =	vst v6;
	v6 =	vnsel vm9, $0x0, v61  }
0x105: {  	p0 =	sne.s32 s22, $0x20;
	vm12 =	vlt.u32 v56, $0x4;
	v8 =	vmul.f32 v63, v9;
	[tilespmem:s23+$0x10] =	vst v6;
	v6 =	vnsel vm11, $0x0, v12  }
.Ltmp2:
0x106: {  	vm14 =	vlt.u32 v53, $0x4;
	v11 =	vadd.s32 v5, v11;
	[tilespmem:s23+$0xFFFFFFF0] =	vst v6;
	v6 =	vnsel vm12, $0x5D5E0B6B, v7;
	(pc) =	sbr.rel @p0 .LBB2_4-.Ltmp2, $4  }
0x107: {  	v5 =	vadd.s32 v5, v10;
	vm13 =	vgt.s32 v11, $0x0;
	v7 =	vnsel vm14, $0x5D5E0B6B, v8;
	[tilespmem:s24+$0x0] =	vst v6  }
0x108: {  	vm15 =	vgt.s32 v5, $0x0;
	v6 =	vnsel vm13, $0x0, v11;
	[tilespmem:s24+$0xFFFFFFE0] =	vst v7  }
0x109: {  	v5 =	vnsel vm15, $0x0, v5;
	[tilespmem:s23+$0x0] =	vst v6  }
0x10a: {  	s20 =	sadd.s32 $0x200, s20;
	s21 =	sadd.s32 $0x200, s21;
	[tilespmem:s23+$0xFFFFFFE0] =	vst v5  }
0x10b: {  	s19 =	simm.s32 $0x0  }
.LBB2_8:
0x10c: {  	s20 =	sor.u32 $0x30, s19;
	v7 =	vmov s19  }
0x10d: {  	s26 =	sor.u32 $0x10, s19;
	s28 =	simm.s32 $0x106A0;
	v5 =	vmov s20  }
0x10e: {  	v8 =	vmov s26;
	v10 =	vld [tilespmem:s28+$0x10]  }
0x10f: {  	v11 =	vld [tilespmem:s28+$0xFFFFFFF0]  }
0x110: {  	v12 =	vld [tilespmem:s28+$0x0]  }
0x111: {  	s21 =	sor.u32 $0x20, s19;
	v7 =	vld.idx.msk [tilespmem:v7+s15+$0x0], $0xffff  }
0x112: {  	v6 =	vld.idx.msk [tilespmem:v5+s15+$0x0], $0xffff;
	v5 =	vmov s21  }
0x113: {  	v8 =	vld.idx.msk [tilespmem:v8+s15+$0x0], $0xffff  }
0x114: {  	v13 =	vld [tilespmem:s28+$0xFFFFFFE0];
	_ =	sdelay $0x2  }
0x115: {  	vm1 =	vle.f32 v11, v7;
	v14 =	vmul.f32 v10, v6;
	v9 =	vld.idx.msk [tilespmem:v5+s15+$0x0], $0xffff  }
0x116: {  	v15 =	vsub.f32 v11, v8;
	v16 =	vmul.f32 v11, v6;
	v11 =	vmul.f32 v12, v6  }
0x117: {  	vm0 =	vle.f32 v13, v7;
	v20 =	vmul.f32 v13, v6;
	v14 =	vmul.f32 v14, v14  }
0x118: {  	v17 =	vsub.f32 v10, v8;
	v16 =	vmul.f32 v16, v16;
	v11 =	vmul.f32 v11, v11  }
0x119: {  	v19 =	vsub.f32 v13, v8;
	v20 =	vmul.f32 v20, v20;
	v18 =	vmul.f32 $9.532515830e-06, v14  }
0x11a: {  	v22 =	vsub.f32 v12, v8;
	v23 =	vmul.f32 $9.532515830e-06, v16;
	v21 =	vmul.f32 v17, v9  }
0x11b: {  	v24 =	vmul.f32 v19, v9;
	v25 =	vmul.f32 v15, v9;
	v18 =	vadd.f32 $-6.720519740e-04, v18  }
0x11c: {  	vm3 =	vle.f32 v12, v7;
	v13 =	vmul.f32 v21, v17;
	v21 =	vmul.f32 $9.532515830e-06, v20  }
0x11d: {  	v26 =	vmul.f32 v22, v9;
	v23 =	vadd.f32 $-6.720519740e-04, v23;
	v17 =	vmul.f32 v18, v14  }
0x11e: {  	v18 =	vmul.f32 $9.532515830e-06, v11;
	v13 =	vmul.f32 $1.442695020e+00, v13;
	v21 =	vadd.f32 $-6.720519740e-04, v21  }
0x11f: {  	v19 =	vmul.f32 v24, v19;
	v15 =	vmul.f32 v25, v15;
	v17 =	vadd.f32 $2.076114530e-02, v17  }
0x120: {  	v18 =	vadd.f32 $-6.720519740e-04, v18;
	(erf) = vpow2.f32 v13;
	v12 =	vmul.f32 v21, v20  }
0x121: {  	v13 =	vmul.f32 v17, v14;
	v17 =	vmul.f32 v23, v16  }
0x122: {  	s31 =	simm.s32 $0x106E0;
	v19 =	vmul.f32 $1.442695020e+00, v19;
	v18 =	vmul.f32 v18, v11;
	v12 =	vadd.f32 $2.076114530e-02, v12  }
0x123: {  	v30 =	vld [tilespmem:s31+$0x10];
	v21 =	vmul.f32 v26, v22;
	v13 =	vadd.f32 $-2.499187890e-01, v13;
	v17 =	vadd.f32 $2.076114530e-02, v17  }
0x124: {  	(erf) = vpow2.f32 v19;
	v18 =	vadd.f32 $2.076114530e-02, v18;
	v12 =	vmul.f32 v12, v20  }
0x125: {  	s29 =	sshll.u32 s19, $0x2;
	s30 =	simm.s32 $0x146A0;
	vm2 =	vle.f32 v10, v7;
	v19 =	vld [tilespmem:s31+$0xFFFFFFF0];
	v13 =	vmul.f32 v13, v14;
	v17 =	vmul.f32 v17, v16  }
0x126: {  	v5 =	vmov s29;
	v15 =	vmul.f32 $1.442695020e+00, v15;
	v14 =	vld [tilespmem:s30+$0x10];
	v18 =	vmul.f32 v18, v11  }
0x127: {  	v21 =	vmul.f32 $1.442695020e+00, v21;
	v10 =	vadd.f32 $-2.499187890e-01, v12;
	v13 =	vadd.f32 $9.999855750e-01, v13  }
0x128: {  	(erf) = vpow2.f32 v15;
	v15 =	vmul.f32 v30, v6;
	v18 =	vadd.f32 $-2.499187890e-01, v18  }
0x129: {  	v22 =	vld [tilespmem:s30+$0xFFFFFFE0];
	v10 =	vmul.f32 v10, v20;
	v12 =	vnsel vm2, $0x0, v13;
	v13 =	vadd.f32 $-2.499187890e-01, v17;
	v17 =	vpop (erf)  }
0x12a: {  	(erf) = vpow2.f32 v21;
	v21 =	vsub.f32 v19, v8;
	v23 =	vmul.f32 v12, v17  }
0x12b: {  	v20 =	vadd.s32 v5, v14;
	v14 =	vmul.f32 v18, v11;
	v12 =	vmul.f32 v13, v16;
	v16 =	vld [tilespmem:s31+$0x0]  }
0x12c: {  	vm2 =	vle.f32 v19, v7;
	v17 =	vld [tilespmem:s31+$0xFFFFFFE0];
	v18 =	vmul.f32 v19, v6;
	v19 =	vmul.f32 v15, v15  }
0x12d: {  	vm1 =	vmmov vm1;
	v13 =	vadd.f32 $9.999855750e-01, v10  }
0x12e: {  	v10 =	vadd.s32 v5, v22;
	v25 =	vmul.f32 $9.532515830e-06, v19;
	v12 =	vadd.f32 $9.999855750e-01, v12  }
0x12f: {  	v22 =	vsub.f32 v30, v8;
	v14 =	vadd.f32 $9.999855750e-01, v14;
	v11 =	vnsel vm0, $0x0, v13  }
0x130: {  	v25 =	vadd.f32 $-6.720519740e-04, v25;
	v13 =	vnsel vm1, $0x0, v12;
	v15 =	vmul.f32 v16, v6  }
0x131: {  	v12 =	vnsel vm3, $0x0, v14;
	v14 =	vmul.f32 v18, v18;
	v18 =	vmul.f32 v17, v6  }
0x132: {  	v27 =	vmul.f32 v22, v9;
	v24 =	vsub.f32 v17, v8;
	v15 =	vmul.f32 v15, v15  }
0x133: {  	vm0 =	vle.f32 v17, v7;
	v25 =	vmul.f32 v25, v19;
	v18 =	vmul.f32 v18, v18  }
0x134: {  	v22 =	vmul.f32 v27, v22;
	v26 =	vsub.f32 v16, v8;
	v17 =	vmul.f32 $9.532515830e-06, v15  }
0x135: {  	v27 =	vld [tilespmem:s30+$0x0];
	v28 =	vmul.f32 $9.532515830e-06, v14;
	v25 =	vadd.f32 $2.076114530e-02, v25;
	v31 =	vmul.f32 $9.532515830e-06, v18  }
0x136: {  	v32 =	vmul.f32 v24, v9;
	v33 =	vadd.f32 $-6.720519740e-04, v17;
	v17 =	vmul.f32 $1.442695020e+00, v22  }
0x137: {  	v29 =	vld [tilespmem:s30+$0xFFFFFFF0];
	v34 =	vmul.f32 v26, v9;
	v25 =	vmul.f32 v25, v19;
	v22 =	vadd.f32 $-6.720519740e-04, v31  }
0x138: {  	vm1 =	vle.f32 v16, v7;
	v31 =	vmul.f32 v21, v9;
	(erf) = vpow2.f32 v17  }
0x139: {  	s20 =	simm.s32 $0x146E0;
	v28 =	vadd.f32 $-6.720519740e-04, v28;
	v24 =	vmul.f32 v32, v24;
	v22 =	vmul.f32 v22, v18  }
0x13a: {  	v62 =	vld [tilespmem:s20+$0x10];
	v16 =	vadd.s32 v5, v27;
	v27 =	vmul.f32 v31, v21;
	v21 =	vadd.f32 $-2.499187890e-01, v25  }
0x13b: {  	v28 =	vmul.f32 v28, v14;
	v25 =	vadd.f32 $2.076114530e-02, v22;
	v22 =	vmul.f32 v34, v26  }
0x13c: {  	vm2 =	vmmov vm2;
	v17 =	vadd.s32 v5, v29;
	v29 =	vmul.f32 v33, v15  }
0x13d: {  	v32 =	vmul.f32 $1.442695020e+00, v24;
	v28 =	vadd.f32 $2.076114530e-02, v28;
	v19 =	vmul.f32 v21, v19  }
0x13e: {  	[tilespmem:v20+s16+$0x0] =	vst.idx.add.f32.msk $0xffff, v23;
	v31 =	vadd.f32 $2.076114530e-02, v29;
	v27 =	vmul.f32 $1.442695020e+00, v27;
	v21 =	vpop (erf);
	v26 =	vmul.f32 $1.442695020e+00, v22  }
0x13f: {  	v20 =	vld [tilespmem:s20+$0xFFFFFFF0];
	v63 =	vmul.f32 v25, v18;
	v35 =	vadd.f32 $9.999855750e-01, v19;
	v25 =	vadd.s32 v5, v62;
	v22 =	vpop (erf)  }
0x140: {  	vm3 =	vle.f32 v30, v7;
	v24 =	vld [tilespmem:s20+$0xFFFFFFE0];
	v29 =	vmul.f32 v28, v14;
	v28 =	vmul.f32 v31, v15;
	v23 =	vpop (erf)  }
0x141: {  	s22 =	simm.s32 $0x10720;
	s21 =	simm.s32 $0x4;
	v19 =	vld [tilespmem:s20+$0x0];
	(erf) = vpow2.f32 v32;
	v30 =	vadd.f32 $-2.499187890e-01, v63;
	v31 =	vnsel vm3, $0x0, v35;
	v32 =	vpop (erf)  }
.LBB2_9:
0x142: {  	v33 =	vld [tilespmem:s22+$0x10];
	s21 =	sadd.s32 $0x4, s21;
	v29 =	vadd.f32 $-2.499187890e-01, v29;
	v31 =	vmul.f32 v31, v32;
	(erf) = vpow2.f32 v27  }
0x143: {  	v28 =	vadd.f32 $-2.499187890e-01, v28;
	v27 =	vld [tilespmem:s22+$0xFFFFFFF0];
	p0 =	slt.u32 s21, $0x3FC;
	v18 =	vmul.f32 v30, v18;
	(erf) = vpow2.f32 v26  }
0x144: {  	v21 =	vmul.f32 v11, v21;
	v14 =	vmul.f32 v29, v14;
	[tilespmem:v25+s16+$0x0] =	vst.idx.add.f32.msk $0xffff, v31  }
0x145: {  	v15 =	vmul.f32 v28, v15;
	v25 =	vld [tilespmem:s22+$0x0];
	v11 =	vadd.f32 $9.999855750e-01, v18;
	v18 =	vmul.f32 v13, v22  }
0x146: {  	v23 =	vmul.f32 v12, v23;
	v13 =	vadd.s32 v5, v24;
	v26 =	vld [tilespmem:s22+$0xFFFFFFE0];
	v14 =	vadd.f32 $9.999855750e-01, v14  }
0x147: {  	v15 =	vadd.f32 $9.999855750e-01, v15;
	v12 =	vmul.f32 v33, v6;
	v11 =	vnsel vm0, $0x0, v11;
	[tilespmem:v10+s16+$0x0] =	vst.idx.add.f32.msk $0xffff, v21;
	v10 =	vmovc v13  }
0x148: {  	v28 =	vsub.f32 v27, v8;
	v30 =	vmul.f32 v27, v6;
	vm3 =	vle.f32 v27, v7  }
0x149: {  	v13 =	vnsel vm2, $0x0, v14;
	v27 =	vmul.f32 v12, v12;
	v12 =	vnsel vm1, $0x0, v15;
	[tilespmem:v17+s16+$0x0] =	vst.idx.add.f32.msk $0xffff, v18  }
0x14a: {  	v17 =	vsub.f32 v33, v8;
	v14 =	vmul.f32 v30, v30;
	v15 =	vmul.f32 v25, v6;
	v21 =	vpop (erf)  }
0x14b: {  	v29 =	vsub.f32 v26, v8;
	v18 =	vmul.f32 v26, v6;
	v24 =	vmul.f32 $9.532515830e-06, v27;
	v22 =	vpop (erf);
	[tilespmem:v16+s16+$0x0] =	vst.idx.add.f32.msk $0xffff, v23  }
0x14c: {  	v30 =	vsub.f32 v25, v8;
	v16 =	vmul.f32 v17, v9;
	v15 =	vmul.f32 v15, v15;
	v23 =	vpop (erf)  }
0x14d: {  	v31 =	vmul.f32 $9.532515830e-06, v14;
	v18 =	vmul.f32 v18, v18;
	v24 =	vadd.f32 $-6.720519740e-04, v24  }
0x14e: {  	vm0 =	vle.f32 v26, v7;
	v16 =	vmul.f32 v16, v17;
	v26 =	vmul.f32 $9.532515830e-06, v15  }
0x14f: {  	v31 =	vadd.f32 $-6.720519740e-04, v31;
	v17 =	vmul.f32 $9.532515830e-06, v18;
	v24 =	vmul.f32 v24, v27  }
0x150: {  	v32 =	vmul.f32 v29, v9;
	v16 =	vmul.f32 $1.442695020e+00, v16;
	v26 =	vadd.f32 $-6.720519740e-04, v26  }
0x151: {  	v34 =	vmul.f32 v28, v9;
	v17 =	vadd.f32 $-6.720519740e-04, v17;
	v24 =	vadd.f32 $2.076114530e-02, v24  }
0x152: {  	vm1 =	vle.f32 v25, v7;
	v35 =	vmul.f32 v30, v9;
	(erf) = vpow2.f32 v16  }
0x153: {  	s20 =	sadd.s32 $0x40, s20;
	v25 =	vmul.f32 v17, v18;
	v36 =	vmul.f32 v24, v27;
	v17 =	vadd.s32 v5, v20  }
0x154: {  	v31 =	vmul.f32 v31, v14;
	v26 =	vmul.f32 v26, v15;
	v16 =	vadd.s32 v5, v19;
	v37 =	vld [tilespmem:s20+$0x10]  }
0x155: {  	v28 =	vmul.f32 v34, v28;
	v19 =	vmul.f32 v32, v29;
	v24 =	vld [tilespmem:s20+$0xFFFFFFE0];
	v29 =	vadd.f32 $-2.499187890e-01, v36  }
0x156: {  	v30 =	vmul.f32 v35, v30;
	v31 =	vadd.f32 $2.076114530e-02, v31;
	v25 =	vadd.f32 $2.076114530e-02, v25;
	v20 =	vld [tilespmem:s20+$0xFFFFFFF0]  }
.Ltmp3:
0x157: {  	v32 =	vmul.f32 $1.442695020e+00, v19;
	v34 =	vadd.f32 $2.076114530e-02, v26;
	v19 =	vld [tilespmem:s20+$0x0];
	v29 =	vmul.f32 v29, v27;
	(pc) =	sbr.rel @p0 .LBB2_9-.Ltmp3, $4  }
0x158: {  	vm2 =	vmmov vm3;
	v26 =	vmul.f32 $1.442695020e+00, v30;
	v27 =	vmul.f32 $1.442695020e+00, v28  }
0x159: {  	v30 =	vmul.f32 v25, v18;
	v35 =	vadd.f32 $9.999855750e-01, v29;
	v25 =	vadd.s32 v5, v37  }
0x15a: {  	vm3 =	vle.f32 v33, v7;
	v28 =	vmul.f32 v34, v15;
	v29 =	vmul.f32 v31, v14  }
0x15b: {  	s22 =	sadd.s32 $0x40, s22;
	v30 =	vadd.f32 $-2.499187890e-01, v30;
	v31 =	vnsel vm3, $0x0, v35;
	(erf) = vpow2.f32 v32;
	v32 =	vpop (erf)  }
0x15c: {  	(erf) = vpow2.f32 v27  }
0x15d: {  	(erf) = vpow2.f32 v26;
	_ =	sdelay $0x1  }
0x15e: {  	v6 =	vadd.f32 $-2.499187890e-01, v29;
	v8 =	vmul.f32 v31, v32  }
0x15f: {  	v9 =	vadd.f32 $-2.499187890e-01, v28;
	v11 =	vmul.f32 v11, v21;
	v7 =	vmul.f32 v30, v18  }
0x160: {  	v13 =	vmul.f32 v13, v22;
	v6 =	vmul.f32 v6, v14  }
0x161: {  	v58 =	vadd.s32 v5, v24;
	v9 =	vmul.f32 v9, v15;
	v7 =	vadd.f32 $9.999855750e-01, v7  }
0x162: {  	v59 =	vmul.f32 v12, v23;
	v60 =	vadd.s32 v5, v20;
	s19 =	sadd.s32 $0x1, s19;
	[tilespmem:v25+s16+$0x0] =	vst.idx.add.f32.msk $0xffff, v8;
	v6 =	vadd.f32 $9.999855750e-01, v6  }
0x163: {  	v5 =	vadd.s32 v5, v19;
	p0 =	sne.s32 s19, $0x10;
	[tilespmem:v10+s16+$0x0] =	vst.idx.add.f32.msk $0xffff, v11;
	v9 =	vadd.f32 $9.999855750e-01, v9;
	v7 =	vnsel vm0, $0x0, v7;
	v61 =	vpop (erf)  }
.Ltmp4:
0x164: {  	[tilespmem:v17+s16+$0x0] =	vst.idx.add.f32.msk $0xffff, v13;
	v6 =	vnsel vm2, $0x0, v6;
	v62 =	vpop (erf);
	v7 =	vmul.f32 v7, v61;
	(pc) =	sbr.rel @p0 .LBB2_8-.Ltmp4, $4  }
0x165: {  	[tilespmem:v16+s16+$0x0] =	vst.idx.add.f32.msk $0xffff, v59;
	v9 =	vnsel vm1, $0x0, v9;
	v63 =	vpop (erf);
	v6 =	vmul.f32 v6, v62  }
0x166: {  	v8 =	vmul.f32 v9, v63;
	[tilespmem:v58+s16+$0x0] =	vst.idx.add.f32.msk $0xffff, v7  }
0x167: {  	[tilespmem:v60+s16+$0x0] =	vst.idx.add.f32.msk $0xffff, v6  }
0x168: {  	[tilespmem:v5+s16+$0x0] =	vst.idx.add.f32.msk $0xffff, v8  }
0x169: {  	s18 =	sadd.s32 $0x1, s18  }
0x16a: {  	p0 =	sne.s32 s18, s8  }
.Ltmp5:
0x16b: {  	_ = 	snop;
	(pc) =	sbr.rel @p0 .LBB2_1-.Ltmp5, $4  }
0x16c: {  	[hbm4b:s7+s9] =	stream.strided.scatter [tilespmem:s16], [sflag:$0x2], $0x8000, s10, s9, $0x38;
	[tilespmem:$0x18700] =	vst v63  }
0x16d: {  	_ =	swait.ge [sflag:s17], $0x8000  }
0x16e: {  	[sflag:s17] =	ssyncset.done $0x0  }
0x16f: {  	[sflag:s17] =	ssyncadd.s32 $0xFFFF8000  }
0x170: {  	_ =	sfence.sel $0x180000  }
0x171: {  	[bflag:$0x0] =	sbarrier.arrive $0xFFFF  }
0x172: {  	p0 =	sne.s32 s1, $0x0;
	_ =	strace $0x90000047  }
0x173: {  	s0 =	sadd.s32 @!p0 $0x100000, s0;
	[bflag:$0x2] =	sbarrier.arrive $0xFFFF  }
0x174: {  	[sflag:s0] =	ssyncadd.tile.s32 @!p0 $0x1;
	_ =	shalt  }
.Lfunc_end2:
_tile_overlayer_lowered:
.L_overlay_start_2:
0x175: {  	(tag) =	ssettag $0x2  }
0x176: {  	s0 =	rddreg [dreg:$0x0];
	s2 =	stileid.u32  }
0x177: {  	s1 =	rddreg [dreg:$0x1];
	p0 =	sne.s32 s2, $0x0  }
0x178: {  	s3 =	rddreg [dreg:$0x2];
	[bflag:$0x3] =	sbarrier.arrive $0xFFFF;
	s2 =	simm.s32 @!p0 $0x1C02  }
0x179: {  	[timem:s3], [sflag:s2] =	dma.local @!p0 [hbm:s0], s1  }
0x17a: {  	s0 =	simm.s32 @!p0 $0x2  }
0x17b: {  	_ =	swait.ge @!p0 [sflag:s0], s1  }
0x17c: {  	s1 =	ssub.s32 @!p0 $0x0, s1;
	[sflag:s0] =	ssyncset.done @!p0 $0x0  }
0x17d: {  	[sflag:s0] =	ssyncadd.s32 @!p0 s1  }
0x17e: {  	[bflag:$0x3] =	sbarrier.arrive $0xFFFF  }
0x17f: {  	_ =	shalt  }

</sc_bundles>
